<compile_context>
chip_gen: v7x
topology: tpu7x:2x2x1
jax: 0.10.2.dev20260603
libtpu: 0.0.44.dev20260713+nightly
codegen_flags: <defaults>
</compile_context>

<pallas_src>
import functools

import jax
import jax.numpy as jnp
from jax import lax
from jax.experimental import pallas as pl
from jax.experimental.pallas import tpu as pltpu
from jax.experimental.pallas import tpu_sc as plsc

NUM_CORES = 2
NUM_SUBCORES = 16
NW = NUM_CORES * NUM_SUBCORES
CH = 512


def _sc_mesh():
    return plsc.VectorSubcoreMesh(core_axis_name="c", subcore_axis_name="s")


def _deg_body(npad, chunks, dst_hbm, out_hbm, didx, ones_v, zbuf, sem, deg_sp):
    rows_per_tile = npad // NUM_SUBCORES
    c = lax.axis_index("c")
    s = lax.axis_index("s")
    wid = s * NUM_CORES + c

    @pl.loop(0, CH)
    def _(i):
        ones_v[i] = jnp.ones((16,), jnp.float32)

    @pl.loop(0, rows_per_tile)
    def _(i):
        zbuf[i] = jnp.zeros((16,), jnp.float32)

    pltpu.sync_copy(zbuf, deg_sp.at[pl.ds(s * rows_per_tile, rows_per_tile)])
    pltpu.sync_copy(dst_hbm.at[pl.ds(wid * chunks, chunks)], didx)
    plsc.subcore_barrier()

    for j in range(chunks):
        pltpu.async_copy(ones_v, deg_sp.at[didx.at[j]], sem, add=True)
    for j in range(chunks):
        pltpu.make_async_copy(ones_v, deg_sp.at[didx.at[0]], sem).wait()

    plsc.subcore_barrier()
    pltpu.sync_copy(deg_sp.at[pl.ds(s * rows_per_tile, rows_per_tile)], zbuf)
    pltpu.sync_copy(zbuf, out_hbm.at[c, pl.ds(s * rows_per_tile, rows_per_tile)])


def _agg_body(npad, chunks, hs_hbm, src_hbm, dst_hbm, out_hbm,
              sidx, didx, rows0, rows1, zbuf,
              sem_g0, sem_g1, sem_s0, sem_s1, agg_sp):
    rows_per_tile = npad // NUM_SUBCORES
    c = lax.axis_index("c")
    s = lax.axis_index("s")
    wid = s * NUM_CORES + c

    @pl.loop(0, rows_per_tile)
    def _(i):
        zbuf[i, pl.ds(0, 16)] = jnp.zeros((16,), jnp.float32)
        zbuf[i, pl.ds(16, 16)] = jnp.zeros((16,), jnp.float32)

    pltpu.sync_copy(zbuf, agg_sp.at[pl.ds(s * rows_per_tile, rows_per_tile)])
    pltpu.sync_copy(src_hbm.at[pl.ds(wid * chunks, chunks)], sidx)
    pltpu.sync_copy(dst_hbm.at[pl.ds(wid * chunks, chunks)], didx)
    plsc.subcore_barrier()

    slots = ((rows0, sem_g0, sem_s0), (rows1, sem_g1, sem_s1))
    nbuf = len(slots)
    for b, (rows, sg, _ss) in enumerate(slots):
        if b < chunks:
            pltpu.async_copy(hs_hbm.at[sidx.at[b]], rows, sg)

    @pl.loop(0, chunks // nbuf)
    def _(jo):
        for b, (rows, sg, ss) in enumerate(slots):
            j = jo * nbuf + b
            pltpu.make_async_copy(hs_hbm.at[sidx.at[0]], rows, sg).wait()
            pltpu.async_copy(rows, agg_sp.at[didx.at[j]], ss, add=True)
            nxt = j + nbuf

            @pl.when(nxt < chunks)
            def _():
                pltpu.make_async_copy(rows, agg_sp.at[didx.at[0]], ss).wait()
                pltpu.async_copy(hs_hbm.at[sidx.at[nxt]], rows, sg)

    for b, (rows, _sg, ss) in enumerate(slots):
        pltpu.make_async_copy(rows, agg_sp.at[didx.at[0]], ss).wait()

    plsc.subcore_barrier()
    pltpu.sync_copy(agg_sp.at[pl.ds(s * rows_per_tile, rows_per_tile)], zbuf)
    pltpu.sync_copy(zbuf, out_hbm.at[c, pl.ds(s * rows_per_tile, rows_per_tile)])


def _sc_degree(dst2d, npad, chunks):
    body = functools.partial(_deg_body, npad, chunks)
    rows_per_tile = npad // NUM_SUBCORES
    return pl.kernel(
        body,
        out_type=jax.ShapeDtypeStruct((NUM_CORES, npad, 16), jnp.float32),
        mesh=_sc_mesh(),
        scratch_types=[
            pltpu.VMEM((chunks, CH), jnp.int32),
            pltpu.VMEM((CH, 16), jnp.float32),
            pltpu.VMEM((rows_per_tile, 16), jnp.float32),
            pltpu.SemaphoreType.DMA,
            pltpu.VMEM_SHARED((npad, 16), jnp.float32),
        ],
        compiler_params=pltpu.CompilerParams(use_tc_tiling_on_sc=False),
    )(dst2d)


def _sc_aggregate(hs, src2d, dst2d, npad, chunks):
    body = functools.partial(_agg_body, npad, chunks)
    rows_per_tile = npad // NUM_SUBCORES
    return pl.kernel(
        body,
        out_type=jax.ShapeDtypeStruct((NUM_CORES, npad, 32), jnp.float32),
        mesh=_sc_mesh(),
        scratch_types=[
            pltpu.VMEM((chunks, CH), jnp.int32),
            pltpu.VMEM((chunks, CH), jnp.int32),
            pltpu.VMEM((CH, 32), jnp.float32),
            pltpu.VMEM((CH, 32), jnp.float32),
            pltpu.VMEM((rows_per_tile, 32), jnp.float32),
            pltpu.SemaphoreType.DMA,
            pltpu.SemaphoreType.DMA,
            pltpu.SemaphoreType.DMA,
            pltpu.SemaphoreType.DMA,
            pltpu.VMEM_SHARED((npad, 32), jnp.float32),
        ],
        compiler_params=pltpu.CompilerParams(use_tc_tiling_on_sc=False),
    )(hs, src2d, dst2d)



def _mm_scale_body(x_ref, w_ref, degp_ref, dinv_ref, hs1_ref):
    h1 = jnp.dot(x_ref[:], w_ref[:], preferred_element_type=jnp.float32)
    deg = degp_ref[0] + degp_ref[1] + 1.0
    dinv = lax.rsqrt(deg)
    dinv_ref[:] = dinv
    hs1_ref[:] = h1 * dinv[:, 0:1]


def _layer1_body(p0_ref, p1_ref, hs1_ref, dinv_ref, b1_ref, hs2_ref):
    d = dinv_ref[:, 0:1]
    agg = d * (p0_ref[0] + p1_ref[0] + hs1_ref[:])
    h = jnp.maximum(agg + b1_ref[:], 0.0)
    hs2_ref[:] = d * h


def _latent_body(p0_ref, p1_ref, hs2_ref, dinv_ref, wmu_ref, bmu_ref,
                 wlv_ref, blv_ref, eps_ref, mu_ref, lv_ref, z_ref):
    d = dinv_ref[:, 0:1]
    agg2 = d * (p0_ref[0] + p1_ref[0] + hs2_ref[:])
    mu = jnp.dot(agg2, wmu_ref[:], preferred_element_type=jnp.float32) + bmu_ref[:]
    lv = jnp.dot(agg2, wlv_ref[:], preferred_element_type=jnp.float32) + blv_ref[:]
    mu_ref[:] = mu
    lv_ref[:] = lv
    z_ref[:] = mu + jnp.exp(lv) * eps_ref[:]


def _dec_body(zr_ref, zc_ref, o_ref):
    logits = lax.dot_general(zr_ref[:], zc_ref[:], (((1,), (1,)), ((), ())),
                             preferred_element_type=jnp.float32)
    o_ref[:] = 0.5 * jnp.tanh(0.5 * logits) + 0.5


def kernel(x, edge_index, W1, b1, Wmu, bmu, Wlv, blv, eps):
    n = x.shape[0]
    nfeat = x.shape[1]
    nhid = W1.shape[1]
    latent = Wmu.shape[1]
    e = edge_index.shape[1]

    npad = ((n + NUM_SUBCORES * 16 - 1) // (NUM_SUBCORES * 16)) * NUM_SUBCORES * 16
    if npad == n:
        npad = n + NUM_SUBCORES * 16
    epad = ((e + NW * CH - 1) // (NW * CH)) * NW * CH
    chunks = epad // (NW * CH)

    src = edge_index[0]
    dst = edge_index[1]
    pad = epad - e
    pad_src = jnp.arange(pad, dtype=src.dtype) % n
    src2d = jnp.concatenate([src, pad_src]).reshape(-1, CH)
    pad_dst = n + (jnp.arange(pad, dtype=dst.dtype) % (npad - n))
    dst2d = jnp.concatenate([dst, pad_dst]).reshape(-1, CH)

    bm = 2000
    grid_r = n // bm

    deg_part = _sc_degree(dst2d, npad, chunks)

    dinv, hs1 = pl.pallas_call(
        _mm_scale_body,
        grid=(grid_r,),
        in_specs=[pl.BlockSpec((bm, nfeat), lambda i: (i, 0)),
                  pl.BlockSpec((nfeat, nhid), lambda i: (0, 0)),
                  pl.BlockSpec((2, bm, 16), lambda i: (0, i, 0))],
        out_specs=[pl.BlockSpec((bm, 16), lambda i: (i, 0)),
                   pl.BlockSpec((bm, nhid), lambda i: (i, 0))],
        out_shape=[jax.ShapeDtypeStruct((n, 16), jnp.float32),
                   jax.ShapeDtypeStruct((n, nhid), jnp.float32)],
    )(x, W1, deg_part)

    p1 = _sc_aggregate(hs1, src2d, dst2d, npad, chunks)

    hs2 = pl.pallas_call(
        _layer1_body,
        grid=(grid_r,),
        in_specs=[pl.BlockSpec((1, bm, nhid), lambda i: (0, i, 0)),
                  pl.BlockSpec((1, bm, nhid), lambda i: (1, i, 0)),
                  pl.BlockSpec((bm, nhid), lambda i: (i, 0)),
                  pl.BlockSpec((bm, 16), lambda i: (i, 0)),
                  pl.BlockSpec((1, nhid), lambda i: (0, 0))],
        out_specs=pl.BlockSpec((bm, nhid), lambda i: (i, 0)),
        out_shape=jax.ShapeDtypeStruct((n, nhid), jnp.float32),
    )(p1, p1, hs1, dinv, b1.reshape(1, nhid))

    p2 = _sc_aggregate(hs2, src2d, dst2d, npad, chunks)

    mu, logvar, z = pl.pallas_call(
        _latent_body,
        grid=(grid_r,),
        in_specs=[pl.BlockSpec((1, bm, nhid), lambda i: (0, i, 0)),
                  pl.BlockSpec((1, bm, nhid), lambda i: (1, i, 0)),
                  pl.BlockSpec((bm, nhid), lambda i: (i, 0)),
                  pl.BlockSpec((bm, 16), lambda i: (i, 0)),
                  pl.BlockSpec((nhid, latent), lambda i: (0, 0)),
                  pl.BlockSpec((1, latent), lambda i: (0, 0)),
                  pl.BlockSpec((nhid, latent), lambda i: (0, 0)),
                  pl.BlockSpec((1, latent), lambda i: (0, 0)),
                  pl.BlockSpec((bm, latent), lambda i: (i, 0))],
        out_specs=[pl.BlockSpec((bm, latent), lambda i: (i, 0)),
                   pl.BlockSpec((bm, latent), lambda i: (i, 0)),
                   pl.BlockSpec((bm, latent), lambda i: (i, 0))],
        out_shape=[jax.ShapeDtypeStruct((n, latent), jnp.float32),
                   jax.ShapeDtypeStruct((n, latent), jnp.float32),
                   jax.ShapeDtypeStruct((n, latent), jnp.float32)],
    )(p2, p2, hs2, dinv, Wmu, bmu.reshape(1, latent), Wlv, blv.reshape(1, latent), eps)

    bmr, bnc = 2048, 2048
    gr = (n + bmr - 1) // bmr
    gc = (n + bnc - 1) // bnc
    adj = pl.pallas_call(
        _dec_body,
        grid=(gr, gc),
        in_specs=[pl.BlockSpec((bmr, latent), lambda i, j: (i, 0)),
                  pl.BlockSpec((bnc, latent), lambda i, j: (j, 0))],
        out_specs=pl.BlockSpec((bmr, bnc), lambda i, j: (i, j)),
        out_shape=jax.ShapeDtypeStruct((n, n), jnp.float32),
    )(z, z)

    return (adj, mu, logvar)

# --- scband reference (transcript-rebuilt; emitter-appended) ---
"""Pipeline reference for scband-vgae-8495445311557 (READ-ONLY COPY).

The authoritative reference and input builder live on the scoring server;
editing this copy changes nothing except your own understanding.
"""

import jax, jax.numpy as jnp
import numpy as np

N = 10000
E = 160000
NFEAT = 256
NHID = 32
LATENT = 16


def _gcn_conv(x, W, b, src, dst, norm, n_nodes):
    h = x @ W
    msgs = h[src] * norm[:, None]
    out = jnp.zeros((n_nodes, h.shape[1]), dtype=h.dtype).at[dst].add(msgs)
    return out + b


def setup_inputs(seed: int = 0) -> dict:
    key = jax.random.key(seed)
    ks = jax.random.split(key, 10)
    x = jax.random.normal(ks[0], (N, NFEAT), dtype=jnp.float32)
    edge_index = jax.random.randint(ks[1], (2, E), 0, N, dtype=jnp.int32)
    W1 = jax.random.normal(ks[2], (NFEAT, NHID), dtype=jnp.float32) * (1.0 / np.sqrt(NFEAT))
    b1 = jnp.zeros((NHID,), dtype=jnp.float32)
    Wmu = jax.random.normal(ks[3], (NHID, LATENT), dtype=jnp.float32) * (1.0 / np.sqrt(NHID))
    bmu = jnp.zeros((LATENT,), dtype=jnp.float32)
    Wlv = jax.random.normal(ks[4], (NHID, LATENT), dtype=jnp.float32) * (1.0 / np.sqrt(NHID))
    blv = jnp.zeros((LATENT,), dtype=jnp.float32)
    eps = jax.random.normal(ks[5], (N, LATENT), dtype=jnp.float32)
    return {"x": x, "edge_index": edge_index, "W1": W1, "b1": b1,
            "Wmu": Wmu, "bmu": bmu, "Wlv": Wlv, "blv": blv, "eps": eps}


def reference(x, edge_index, W1, b1, Wmu, bmu, Wlv, blv, eps):
    n_nodes = x.shape[0]
    src = edge_index[0]
    dst = edge_index[1]
    loop = jnp.arange(n_nodes, dtype=src.dtype)
    src = jnp.concatenate([src, loop])
    dst = jnp.concatenate([dst, loop])
    # symmetric GCN normalization on A + I
    deg = jnp.zeros((n_nodes,), dtype=jnp.float32).at[dst].add(1.0)
    dinv = jnp.where(deg > 0, deg ** -0.5, 0.0)
    norm = dinv[src] * dinv[dst]
    # Encoder
    h = jax.nn.relu(_gcn_conv(x, W1, b1, src, dst, norm, n_nodes))
    mu = _gcn_conv(h, Wmu, bmu, src, dst, norm, n_nodes)
    logvar = _gcn_conv(h, Wlv, blv, src, dst, norm, n_nodes)
    # reparameterize (training mode: mu + std * eps, std = exp(logvar))
    std = jnp.exp(logvar)
    z = mu + std * eps
    # Decoder: sigmoid(z z^T)
    adj = jax.nn.sigmoid(z @ z.T)
    return (adj, mu, logvar)

if __name__ == "__main__":
    import jax
    _d = setup_inputs()
    print(jax.jit(kernel)(*tuple(_d.values())))

</pallas_src>

<mosaic_0001>
#map = affine_map<(d0, d1) -> (0, 0)>
#map1 = affine_map<(d0, d1) -> (0, 0, 0)>
module attributes {stable_mosaic.version = 14 : i64} {
  func.func @_deg_body(%arg0: i32, %arg1: i32, %arg2: memref<320x512xi32, #tpu.memory_space<hbm>>, %arg3: memref<2x10240x16xf32, #tpu.memory_space<hbm>>, %arg4: memref<10x512xi32, #tpu.memory_space<vmem>>, %arg5: memref<512x16xf32, #tpu.memory_space<vmem>>, %arg6: memref<640x16xf32, #tpu.memory_space<vmem>>, %arg7: memref<!tpu.dma_semaphore, #tpu.memory_space<semaphore_mem>>, %arg8: memref<10240x16xf32, #tpu.memory_space<vmem_shared>>) attributes {dimension_semantics = [#tpu.dimension_semantics<core_parallel>, #tpu.dimension_semantics<subcore_parallel>], iteration_bounds = array<i64: 2, 16>, scalar_prefetch = 0 : i64, scratch_operands = 5 : i64, tpu.core_type = #tpu.core_type<sc_vector_subcore>, window_params = [{transform_indices = #map}, {transform_indices = #map1}]} {
    %mul3A = arith.constant 2 : i32
    %mul3A_0 = arith.muli %arg1, %mul3A : i32
    %add3A = arith.addi %mul3A_0, %arg0 : i32
    %scan3A = arith.constant 0 : i32
    %scan3A_1 = arith.constant 512 : i32
    %scan3A_2 = arith.addi %scan3A, %scan3A_1 : i32
    %scan3A_3 = arith.constant 1 : i32
    scf.for %scan3A_157 = %scan3A to %scan3A_2 step %scan3A_3  : i32 {
      %mul3A_158 = arith.constant 1 : i32
      %mul3A_159 = arith.muli %scan3A_157, %mul3A_158 : i32
      %add3A_160 = arith.constant 0 : i32
      %add3A_161 = arith.addi %add3A_160, %mul3A_159 : i32
      %broadcast_in_dim3A = arith.constant 1.000000e+00 : f32
      %broadcast_in_dim3A_162 = vector.broadcast %broadcast_in_dim3A : f32 to vector<16xf32>
      %swap3A = arith.index_cast %add3A_161 : i32 to index
      %swap3A_163 = arith.constant 0 : index
      %swap3A_164 = tpu.vector_load %arg5[%swap3A, %swap3A_163] {strides = array<i32>} : memref<512x16xf32, #tpu.memory_space<vmem>>, vector<1x16xf32>,
      %swap3A_165 = vector.shape_cast %swap3A_164 : vector<1x16xf32> to vector<16xf32>
      %swap3A_166 = vector.shape_cast %broadcast_in_dim3A_162 : vector<16xf32> to vector<1x16xf32>
      tpu.vector_store %arg5[%swap3A, %swap3A_163], %swap3A_166 {strides = array<i32>} : memref<512x16xf32, #tpu.memory_space<vmem>>, vector<1x16xf32>,
    }
    %scan3A_4 = arith.constant 512 : i32
    %scan3A_5 = arith.constant 0 : i32
    %scan3A_6 = arith.constant 640 : i32
    %scan3A_7 = arith.addi %scan3A_5, %scan3A_6 : i32
    %scan3A_8 = arith.constant 1 : i32
    scf.for %scan3A_157 = %scan3A_5 to %scan3A_7 step %scan3A_8  : i32 {
      %mul3A_158 = arith.constant 1 : i32
      %mul3A_159 = arith.muli %scan3A_157, %mul3A_158 : i32
      %add3A_160 = arith.constant 0 : i32
      %add3A_161 = arith.addi %add3A_160, %mul3A_159 : i32
      %broadcast_in_dim3A = arith.constant 0.000000e+00 : f32
      %broadcast_in_dim3A_162 = vector.broadcast %broadcast_in_dim3A : f32 to vector<16xf32>
      %swap3A = arith.index_cast %add3A_161 : i32 to index
      %swap3A_163 = arith.constant 0 : index
      %swap3A_164 = tpu.vector_load %arg6[%swap3A, %swap3A_163] {strides = array<i32>} : memref<640x16xf32, #tpu.memory_space<vmem>>, vector<1x16xf32>,
      %swap3A_165 = vector.shape_cast %swap3A_164 : vector<1x16xf32> to vector<16xf32>
      %swap3A_166 = vector.shape_cast %broadcast_in_dim3A_162 : vector<16xf32> to vector<1x16xf32>
      tpu.vector_store %arg6[%swap3A, %swap3A_163], %swap3A_166 {strides = array<i32>} : memref<640x16xf32, #tpu.memory_space<vmem>>, vector<1x16xf32>,
    }
    %scan3A_9 = arith.constant 640 : i32
    %mul3A_10 = arith.constant 640 : i32
    %mul3A_11 = arith.muli %arg1, %mul3A_10 : i32
    "tpu.region"() ({
      %run_scoped3A = tpu.sem_alloc : memref<!tpu.dma_semaphore, #tpu.memory_space<semaphore_mem>>
      %dma_start3A_157 = arith.constant 0 : i32
      %dma_start3A_158 = tpu.memref_slice %arg8[%mul3A_11, %dma_start3A_157] : memref<10240x16xf32, #tpu.memory_space<vmem_shared>> -> memref<640x16xf32, #tpu.memory_space<vmem_shared>>
      %dma_start3A_159 = arith.constant 0 : i32
      %dma_start3A_160 = tpu.memref_slice %arg8[%mul3A_11, %dma_start3A_159] : memref<10240x16xf32, #tpu.memory_space<vmem_shared>> -> memref<640x16xf32, #tpu.memory_space<vmem_shared>>
      tpu.enqueue_dma source(%arg6 : memref<640x16xf32, #tpu.memory_space<vmem>>) target(%dma_start3A_160 : memref<640x16xf32, #tpu.memory_space<vmem_shared>>) target_semaphore(%run_scoped3A : memref<!tpu.dma_semaphore, #tpu.memory_space<semaphore_mem>>)
      %dma_wait3A_161 = arith.constant 0 : i32
      %dma_wait3A_162 = tpu.memref_slice %arg8[%mul3A_11, %dma_wait3A_161] : memref<10240x16xf32, #tpu.memory_space<vmem_shared>> -> memref<640x16xf32, #tpu.memory_space<vmem_shared>>
      %dma_wait3A_163 = arith.constant 0 : i32
      %dma_wait3A_164 = tpu.memref_slice %arg8[%mul3A_11, %dma_wait3A_163] : memref<10240x16xf32, #tpu.memory_space<vmem_shared>> -> memref<640x16xf32, #tpu.memory_space<vmem_shared>>
      tpu.wait_dma2 semaphore(%run_scoped3A : memref<!tpu.dma_semaphore, #tpu.memory_space<semaphore_mem>>) src(%arg6 : memref<640x16xf32, #tpu.memory_space<vmem>>) dst(%dma_wait3A_164 : memref<640x16xf32, #tpu.memory_space<vmem_shared>>)
      tpu.yield
    }) : () -> ()
    %mul3A_12 = arith.constant 10 : i32
    %mul3A_13 = arith.muli %add3A, %mul3A_12 : i32
    "tpu.region"() ({
      %run_scoped3A = tpu.sem_alloc : memref<!tpu.dma_semaphore, #tpu.memory_space<semaphore_mem>>
      %dma_start3A_157 = arith.constant 0 : i32
      %dma_start3A_158 = tpu.memref_slice %arg2[%mul3A_13, %dma_start3A_157] : memref<320x512xi32, #tpu.memory_space<hbm>> -> memref<10x512xi32, #tpu.memory_space<hbm>>
      %dma_start3A_159 = arith.constant 0 : i32
      %dma_start3A_160 = tpu.memref_slice %arg2[%mul3A_13, %dma_start3A_159] : memref<320x512xi32, #tpu.memory_space<hbm>> -> memref<10x512xi32, #tpu.memory_space<hbm>>
      tpu.enqueue_dma source(%dma_start3A_160 : memref<10x512xi32, #tpu.memory_space<hbm>>) target(%arg4 : memref<10x512xi32, #tpu.memory_space<vmem>>) target_semaphore(%run_scoped3A : memref<!tpu.dma_semaphore, #tpu.memory_space<semaphore_mem>>)
      %dma_wait3A_161 = arith.constant 0 : i32
      %dma_wait3A_162 = tpu.memref_slice %arg2[%mul3A_13, %dma_wait3A_161] : memref<320x512xi32, #tpu.memory_space<hbm>> -> memref<10x512xi32, #tpu.memory_space<hbm>>
      %dma_wait3A_163 = arith.constant 0 : i32
      %dma_wait3A_164 = tpu.memref_slice %arg2[%mul3A_13, %dma_wait3A_163] : memref<320x512xi32, #tpu.memory_space<hbm>> -> memref<10x512xi32, #tpu.memory_space<hbm>>
      tpu.wait_dma2 semaphore(%run_scoped3A : memref<!tpu.dma_semaphore, #tpu.memory_space<semaphore_mem>>) src(%dma_wait3A_164 : memref<10x512xi32, #tpu.memory_space<hbm>>) dst(%arg4 : memref<10x512xi32, #tpu.memory_space<vmem>>)
      tpu.yield
    }) : () -> ()
    %barrier3A = arith.constant 0 : index
    tpu.barrier barrier_id(%barrier3A)
    %dma_start3A = arith.constant 0 : i32
    %dma_start3A_14 = arith.constant 0 : i32
    %dma_start3A_15 = tpu.memref_slice %arg4[%dma_start3A, %dma_start3A_14] : memref<10x512xi32, #tpu.memory_space<vmem>> -> memref<1x512xi32, #tpu.memory_space<vmem>>
    %dma_start3A_16 = tpu.memref_squeeze %dma_start3A_15 : memref<1x512xi32, #tpu.memory_space<vmem>> -> memref<512xi32, #tpu.memory_space<vmem>>
    %dma_start3A_17 = arith.constant 0 : i32
    %dma_start3A_18 = arith.constant 0 : i32
    %dma_start3A_19 = tpu.memref_slice %arg8[%dma_start3A_17, %dma_start3A_18] : memref<10240x16xf32, #tpu.memory_space<vmem_shared>> -> memref<10240x16xf32, #tpu.memory_space<vmem_shared>>
    tpu.enqueue_indirect_dma source(%arg5 : memref<512x16xf32, #tpu.memory_space<vmem>>) target(%dma_start3A_19 : memref<10240x16xf32, #tpu.memory_space<vmem_shared>>) offsets(%dma_start3A_16 : memref<512xi32, #tpu.memory_space<vmem>>) semaphore(%arg7 : memref<!tpu.dma_semaphore, #tpu.memory_space<semaphore_mem>>) {add = true}
    %dma_start3A_20 = arith.constant 1 : i32
    %dma_start3A_21 = arith.constant 0 : i32
    %dma_start3A_22 = tpu.memref_slice %arg4[%dma_start3A_20, %dma_start3A_21] : memref<10x512xi32, #tpu.memory_space<vmem>> -> memref<1x512xi32, #tpu.memory_space<vmem>>
    %dma_start3A_23 = tpu.memref_squeeze %dma_start3A_22 : memref<1x512xi32, #tpu.memory_space<vmem>> -> memref<512xi32, #tpu.memory_space<vmem>>
    %dma_start3A_24 = arith.constant 0 : i32
    %dma_start3A_25 = arith.constant 0 : i32
    %dma_start3A_26 = tpu.memref_slice %arg8[%dma_start3A_24, %dma_start3A_25] : memref<10240x16xf32, #tpu.memory_space<vmem_shared>> -> memref<10240x16xf32, #tpu.memory_space<vmem_shared>>
    tpu.enqueue_indirect_dma source(%arg5 : memref<512x16xf32, #tpu.memory_space<vmem>>) target(%dma_start3A_26 : memref<10240x16xf32, #tpu.memory_space<vmem_shared>>) offsets(%dma_start3A_23 : memref<512xi32, #tpu.memory_space<vmem>>) semaphore(%arg7 : memref<!tpu.dma_semaphore, #tpu.memory_space<semaphore_mem>>) {add = true}
    %dma_start3A_27 = arith.constant 2 : i32
    %dma_start3A_28 = arith.constant 0 : i32
    %dma_start3A_29 = tpu.memref_slice %arg4[%dma_start3A_27, %dma_start3A_28] : memref<10x512xi32, #tpu.memory_space<vmem>> -> memref<1x512xi32, #tpu.memory_space<vmem>>
    %dma_start3A_30 = tpu.memref_squeeze %dma_start3A_29 : memref<1x512xi32, #tpu.memory_space<vmem>> -> memref<512xi32, #tpu.memory_space<vmem>>
    %dma_start3A_31 = arith.constant 0 : i32
    %dma_start3A_32 = arith.constant 0 : i32
    %dma_start3A_33 = tpu.memref_slice %arg8[%dma_start3A_31, %dma_start3A_32] : memref<10240x16xf32, #tpu.memory_space<vmem_shared>> -> memref<10240x16xf32, #tpu.memory_space<vmem_shared>>
    tpu.enqueue_indirect_dma source(%arg5 : memref<512x16xf32, #tpu.memory_space<vmem>>) target(%dma_start3A_33 : memref<10240x16xf32, #tpu.memory_space<vmem_shared>>) offsets(%dma_start3A_30 : memref<512xi32, #tpu.memory_space<vmem>>) semaphore(%arg7 : memref<!tpu.dma_semaphore, #tpu.memory_space<semaphore_mem>>) {add = true}
    %dma_start3A_34 = arith.constant 3 : i32
    %dma_start3A_35 = arith.constant 0 : i32
    %dma_start3A_36 = tpu.memref_slice %arg4[%dma_start3A_34, %dma_start3A_35] : memref<10x512xi32, #tpu.memory_space<vmem>> -> memref<1x512xi32, #tpu.memory_space<vmem>>
    %dma_start3A_37 = tpu.memref_squeeze %dma_start3A_36 : memref<1x512xi32, #tpu.memory_space<vmem>> -> memref<512xi32, #tpu.memory_space<vmem>>
    %dma_start3A_38 = arith.constant 0 : i32
    %dma_start3A_39 = arith.constant 0 : i32
    %dma_start3A_40 = tpu.memref_slice %arg8[%dma_start3A_38, %dma_start3A_39] : memref<10240x16xf32, #tpu.memory_space<vmem_shared>> -> memref<10240x16xf32, #tpu.memory_space<vmem_shared>>
    tpu.enqueue_indirect_dma source(%arg5 : memref<512x16xf32, #tpu.memory_space<vmem>>) target(%dma_start3A_40 : memref<10240x16xf32, #tpu.memory_space<vmem_shared>>) offsets(%dma_start3A_37 : memref<512xi32, #tpu.memory_space<vmem>>) semaphore(%arg7 : memref<!tpu.dma_semaphore, #tpu.memory_space<semaphore_mem>>) {add = true}
    %dma_start3A_41 = arith.constant 4 : i32
    %dma_start3A_42 = arith.constant 0 : i32
    %dma_start3A_43 = tpu.memref_slice %arg4[%dma_start3A_41, %dma_start3A_42] : memref<10x512xi32, #tpu.memory_space<vmem>> -> memref<1x512xi32, #tpu.memory_space<vmem>>
    %dma_start3A_44 = tpu.memref_squeeze %dma_start3A_43 : memref<1x512xi32, #tpu.memory_space<vmem>> -> memref<512xi32, #tpu.memory_space<vmem>>
    %dma_start3A_45 = arith.constant 0 : i32
    %dma_start3A_46 = arith.constant 0 : i32
    %dma_start3A_47 = tpu.memref_slice %arg8[%dma_start3A_45, %dma_start3A_46] : memref<10240x16xf32, #tpu.memory_space<vmem_shared>> -> memref<10240x16xf32, #tpu.memory_space<vmem_shared>>
    tpu.enqueue_indirect_dma source(%arg5 : memref<512x16xf32, #tpu.memory_space<vmem>>) target(%dma_start3A_47 : memref<10240x16xf32, #tpu.memory_space<vmem_shared>>) offsets(%dma_start3A_44 : memref<512xi32, #tpu.memory_space<vmem>>) semaphore(%arg7 : memref<!tpu.dma_semaphore, #tpu.memory_space<semaphore_mem>>) {add = true}
    %dma_start3A_48 = arith.constant 5 : i32
    %dma_start3A_49 = arith.constant 0 : i32
    %dma_start3A_50 = tpu.memref_slice %arg4[%dma_start3A_48, %dma_start3A_49] : memref<10x512xi32, #tpu.memory_space<vmem>> -> memref<1x512xi32, #tpu.memory_space<vmem>>
    %dma_start3A_51 = tpu.memref_squeeze %dma_start3A_50 : memref<1x512xi32, #tpu.memory_space<vmem>> -> memref<512xi32, #tpu.memory_space<vmem>>
    %dma_start3A_52 = arith.constant 0 : i32
    %dma_start3A_53 = arith.constant 0 : i32
    %dma_start3A_54 = tpu.memref_slice %arg8[%dma_start3A_52, %dma_start3A_53] : memref<10240x16xf32, #tpu.memory_space<vmem_shared>> -> memref<10240x16xf32, #tpu.memory_space<vmem_shared>>
    tpu.enqueue_indirect_dma source(%arg5 : memref<512x16xf32, #tpu.memory_space<vmem>>) target(%dma_start3A_54 : memref<10240x16xf32, #tpu.memory_space<vmem_shared>>) offsets(%dma_start3A_51 : memref<512xi32, #tpu.memory_space<vmem>>) semaphore(%arg7 : memref<!tpu.dma_semaphore, #tpu.memory_space<semaphore_mem>>) {add = true}
    %dma_start3A_55 = arith.constant 6 : i32
    %dma_start3A_56 = arith.constant 0 : i32
    %dma_start3A_57 = tpu.memref_slice %arg4[%dma_start3A_55, %dma_start3A_56] : memref<10x512xi32, #tpu.memory_space<vmem>> -> memref<1x512xi32, #tpu.memory_space<vmem>>
    %dma_start3A_58 = tpu.memref_squeeze %dma_start3A_57 : memref<1x512xi32, #tpu.memory_space<vmem>> -> memref<512xi32, #tpu.memory_space<vmem>>
    %dma_start3A_59 = arith.constant 0 : i32
    %dma_start3A_60 = arith.constant 0 : i32
    %dma_start3A_61 = tpu.memref_slice %arg8[%dma_start3A_59, %dma_start3A_60] : memref<10240x16xf32, #tpu.memory_space<vmem_shared>> -> memref<10240x16xf32, #tpu.memory_space<vmem_shared>>
    tpu.enqueue_indirect_dma source(%arg5 : memref<512x16xf32, #tpu.memory_space<vmem>>) target(%dma_start3A_61 : memref<10240x16xf32, #tpu.memory_space<vmem_shared>>) offsets(%dma_start3A_58 : memref<512xi32, #tpu.memory_space<vmem>>) semaphore(%arg7 : memref<!tpu.dma_semaphore, #tpu.memory_space<semaphore_mem>>) {add = true}
    %dma_start3A_62 = arith.constant 7 : i32
    %dma_start3A_63 = arith.constant 0 : i32
    %dma_start3A_64 = tpu.memref_slice %arg4[%dma_start3A_62, %dma_start3A_63] : memref<10x512xi32, #tpu.memory_space<vmem>> -> memref<1x512xi32, #tpu.memory_space<vmem>>
    %dma_start3A_65 = tpu.memref_squeeze %dma_start3A_64 : memref<1x512xi32, #tpu.memory_space<vmem>> -> memref<512xi32, #tpu.memory_space<vmem>>
    %dma_start3A_66 = arith.constant 0 : i32
    %dma_start3A_67 = arith.constant 0 : i32
    %dma_start3A_68 = tpu.memref_slice %arg8[%dma_start3A_66, %dma_start3A_67] : memref<10240x16xf32, #tpu.memory_space<vmem_shared>> -> memref<10240x16xf32, #tpu.memory_space<vmem_shared>>
    tpu.enqueue_indirect_dma source(%arg5 : memref<512x16xf32, #tpu.memory_space<vmem>>) target(%dma_start3A_68 : memref<10240x16xf32, #tpu.memory_space<vmem_shared>>) offsets(%dma_start3A_65 : memref<512xi32, #tpu.memory_space<vmem>>) semaphore(%arg7 : memref<!tpu.dma_semaphore, #tpu.memory_space<semaphore_mem>>) {add = true}
    %dma_start3A_69 = arith.constant 8 : i32
    %dma_start3A_70 = arith.constant 0 : i32
    %dma_start3A_71 = tpu.memref_slice %arg4[%dma_start3A_69, %dma_start3A_70] : memref<10x512xi32, #tpu.memory_space<vmem>> -> memref<1x512xi32, #tpu.memory_space<vmem>>
    %dma_start3A_72 = tpu.memref_squeeze %dma_start3A_71 : memref<1x512xi32, #tpu.memory_space<vmem>> -> memref<512xi32, #tpu.memory_space<vmem>>
    %dma_start3A_73 = arith.constant 0 : i32
    %dma_start3A_74 = arith.constant 0 : i32
    %dma_start3A_75 = tpu.memref_slice %arg8[%dma_start3A_73, %dma_start3A_74] : memref<10240x16xf32, #tpu.memory_space<vmem_shared>> -> memref<10240x16xf32, #tpu.memory_space<vmem_shared>>
    tpu.enqueue_indirect_dma source(%arg5 : memref<512x16xf32, #tpu.memory_space<vmem>>) target(%dma_start3A_75 : memref<10240x16xf32, #tpu.memory_space<vmem_shared>>) offsets(%dma_start3A_72 : memref<512xi32, #tpu.memory_space<vmem>>) semaphore(%arg7 : memref<!tpu.dma_semaphore, #tpu.memory_space<semaphore_mem>>) {add = true}
    %dma_start3A_76 = arith.constant 9 : i32
    %dma_start3A_77 = arith.constant 0 : i32
    %dma_start3A_78 = tpu.memref_slice %arg4[%dma_start3A_76, %dma_start3A_77] : memref<10x512xi32, #tpu.memory_space<vmem>> -> memref<1x512xi32, #tpu.memory_space<vmem>>
    %dma_start3A_79 = tpu.memref_squeeze %dma_start3A_78 : memref<1x512xi32, #tpu.memory_space<vmem>> -> memref<512xi32, #tpu.memory_space<vmem>>
    %dma_start3A_80 = arith.constant 0 : i32
    %dma_start3A_81 = arith.constant 0 : i32
    %dma_start3A_82 = tpu.memref_slice %arg8[%dma_start3A_80, %dma_start3A_81] : memref<10240x16xf32, #tpu.memory_space<vmem_shared>> -> memref<10240x16xf32, #tpu.memory_space<vmem_shared>>
    tpu.enqueue_indirect_dma source(%arg5 : memref<512x16xf32, #tpu.memory_space<vmem>>) target(%dma_start3A_82 : memref<10240x16xf32, #tpu.memory_space<vmem_shared>>) offsets(%dma_start3A_79 : memref<512xi32, #tpu.memory_space<vmem>>) semaphore(%arg7 : memref<!tpu.dma_semaphore, #tpu.memory_space<semaphore_mem>>) {add = true}
    %dma_wait3A = arith.constant 0 : i32
    %dma_wait3A_83 = arith.constant 0 : i32
    %dma_wait3A_84 = tpu.memref_slice %arg4[%dma_wait3A, %dma_wait3A_83] : memref<10x512xi32, #tpu.memory_space<vmem>> -> memref<1x512xi32, #tpu.memory_space<vmem>>
    %dma_wait3A_85 = tpu.memref_squeeze %dma_wait3A_84 : memref<1x512xi32, #tpu.memory_space<vmem>> -> memref<512xi32, #tpu.memory_space<vmem>>
    %dma_wait3A_86 = arith.constant 0 : i32
    %dma_wait3A_87 = arith.constant 0 : i32
    %dma_wait3A_88 = tpu.memref_slice %arg8[%dma_wait3A_86, %dma_wait3A_87] : memref<10240x16xf32, #tpu.memory_space<vmem_shared>> -> memref<10240x16xf32, #tpu.memory_space<vmem_shared>>
    tpu.wait_indirect_dma semaphore(%arg7 : memref<!tpu.dma_semaphore, #tpu.memory_space<semaphore_mem>>) src(%arg5 : memref<512x16xf32, #tpu.memory_space<vmem>>) dst(%dma_wait3A_88 : memref<10240x16xf32, #tpu.memory_space<vmem_shared>>)
    %dma_wait3A_89 = arith.constant 0 : i32
    %dma_wait3A_90 = arith.constant 0 : i32
    %dma_wait3A_91 = tpu.memref_slice %arg4[%dma_wait3A_89, %dma_wait3A_90] : memref<10x512xi32, #tpu.memory_space<vmem>> -> memref<1x512xi32, #tpu.memory_space<vmem>>
    %dma_wait3A_92 = tpu.memref_squeeze %dma_wait3A_91 : memref<1x512xi32, #tpu.memory_space<vmem>> -> memref<512xi32, #tpu.memory_space<vmem>>
    %dma_wait3A_93 = arith.constant 0 : i32
    %dma_wait3A_94 = arith.constant 0 : i32
    %dma_wait3A_95 = tpu.memref_slice %arg8[%dma_wait3A_93, %dma_wait3A_94] : memref<10240x16xf32, #tpu.memory_space<vmem_shared>> -> memref<10240x16xf32, #tpu.memory_space<vmem_shared>>
    tpu.wait_indirect_dma semaphore(%arg7 : memref<!tpu.dma_semaphore, #tpu.memory_space<semaphore_mem>>) src(%arg5 : memref<512x16xf32, #tpu.memory_space<vmem>>) dst(%dma_wait3A_95 : memref<10240x16xf32, #tpu.memory_space<vmem_shared>>)
    %dma_wait3A_96 = arith.constant 0 : i32
    %dma_wait3A_97 = arith.constant 0 : i32
    %dma_wait3A_98 = tpu.memref_slice %arg4[%dma_wait3A_96, %dma_wait3A_97] : memref<10x512xi32, #tpu.memory_space<vmem>> -> memref<1x512xi32, #tpu.memory_space<vmem>>
    %dma_wait3A_99 = tpu.memref_squeeze %dma_wait3A_98 : memref<1x512xi32, #tpu.memory_space<vmem>> -> memref<512xi32, #tpu.memory_space<vmem>>
    %dma_wait3A_100 = arith.constant 0 : i32
    %dma_wait3A_101 = arith.constant 0 : i32
    %dma_wait3A_102 = tpu.memref_slice %arg8[%dma_wait3A_100, %dma_wait3A_101] : memref<10240x16xf32, #tpu.memory_space<vmem_shared>> -> memref<10240x16xf32, #tpu.memory_space<vmem_shared>>
    tpu.wait_indirect_dma semaphore(%arg7 : memref<!tpu.dma_semaphore, #tpu.memory_space<semaphore_mem>>) src(%arg5 : memref<512x16xf32, #tpu.memory_space<vmem>>) dst(%dma_wait3A_102 : memref<10240x16xf32, #tpu.memory_space<vmem_shared>>)
    %dma_wait3A_103 = arith.constant 0 : i32
    %dma_wait3A_104 = arith.constant 0 : i32
    %dma_wait3A_105 = tpu.memref_slice %arg4[%dma_wait3A_103, %dma_wait3A_104] : memref<10x512xi32, #tpu.memory_space<vmem>> -> memref<1x512xi32, #tpu.memory_space<vmem>>
    %dma_wait3A_106 = tpu.memref_squeeze %dma_wait3A_105 : memref<1x512xi32, #tpu.memory_space<vmem>> -> memref<512xi32, #tpu.memory_space<vmem>>
    %dma_wait3A_107 = arith.constant 0 : i32
    %dma_wait3A_108 = arith.constant 0 : i32
    %dma_wait3A_109 = tpu.memref_slice %arg8[%dma_wait3A_107, %dma_wait3A_108] : memref<10240x16xf32, #tpu.memory_space<vmem_shared>> -> memref<10240x16xf32, #tpu.memory_space<vmem_shared>>
    tpu.wait_indirect_dma semaphore(%arg7 : memref<!tpu.dma_semaphore, #tpu.memory_space<semaphore_mem>>) src(%arg5 : memref<512x16xf32, #tpu.memory_space<vmem>>) dst(%dma_wait3A_109 : memref<10240x16xf32, #tpu.memory_space<vmem_shared>>)
    %dma_wait3A_110 = arith.constant 0 : i32
    %dma_wait3A_111 = arith.constant 0 : i32
    %dma_wait3A_112 = tpu.memref_slice %arg4[%dma_wait3A_110, %dma_wait3A_111] : memref<10x512xi32, #tpu.memory_space<vmem>> -> memref<1x512xi32, #tpu.memory_space<vmem>>
    %dma_wait3A_113 = tpu.memref_squeeze %dma_wait3A_112 : memref<1x512xi32, #tpu.memory_space<vmem>> -> memref<512xi32, #tpu.memory_space<vmem>>
    %dma_wait3A_114 = arith.constant 0 : i32
    %dma_wait3A_115 = arith.constant 0 : i32
    %dma_wait3A_116 = tpu.memref_slice %arg8[%dma_wait3A_114, %dma_wait3A_115] : memref<10240x16xf32, #tpu.memory_space<vmem_shared>> -> memref<10240x16xf32, #tpu.memory_space<vmem_shared>>
    tpu.wait_indirect_dma semaphore(%arg7 : memref<!tpu.dma_semaphore, #tpu.memory_space<semaphore_mem>>) src(%arg5 : memref<512x16xf32, #tpu.memory_space<vmem>>) dst(%dma_wait3A_116 : memref<10240x16xf32, #tpu.memory_space<vmem_shared>>)
    %dma_wait3A_117 = arith.constant 0 : i32
    %dma_wait3A_118 = arith.constant 0 : i32
    %dma_wait3A_119 = tpu.memref_slice %arg4[%dma_wait3A_117, %dma_wait3A_118] : memref<10x512xi32, #tpu.memory_space<vmem>> -> memref<1x512xi32, #tpu.memory_space<vmem>>
    %dma_wait3A_120 = tpu.memref_squeeze %dma_wait3A_119 : memref<1x512xi32, #tpu.memory_space<vmem>> -> memref<512xi32, #tpu.memory_space<vmem>>
    %dma_wait3A_121 = arith.constant 0 : i32
    %dma_wait3A_122 = arith.constant 0 : i32
    %dma_wait3A_123 = tpu.memref_slice %arg8[%dma_wait3A_121, %dma_wait3A_122] : memref<10240x16xf32, #tpu.memory_space<vmem_shared>> -> memref<10240x16xf32, #tpu.memory_space<vmem_shared>>
    tpu.wait_indirect_dma semaphore(%arg7 : memref<!tpu.dma_semaphore, #tpu.memory_space<semaphore_mem>>) src(%arg5 : memref<512x16xf32, #tpu.memory_space<vmem>>) dst(%dma_wait3A_123 : memref<10240x16xf32, #tpu.memory_space<vmem_shared>>)
    %dma_wait3A_124 = arith.constant 0 : i32
    %dma_wait3A_125 = arith.constant 0 : i32
    %dma_wait3A_126 = tpu.memref_slice %arg4[%dma_wait3A_124, %dma_wait3A_125] : memref<10x512xi32, #tpu.memory_space<vmem>> -> memref<1x512xi32, #tpu.memory_space<vmem>>
    %dma_wait3A_127 = tpu.memref_squeeze %dma_wait3A_126 : memref<1x512xi32, #tpu.memory_space<vmem>> -> memref<512xi32, #tpu.memory_space<vmem>>
    %dma_wait3A_128 = arith.constant 0 : i32
    %dma_wait3A_129 = arith.constant 0 : i32
    %dma_wait3A_130 = tpu.memref_slice %arg8[%dma_wait3A_128, %dma_wait3A_129] : memref<10240x16xf32, #tpu.memory_space<vmem_shared>> -> memref<10240x16xf32, #tpu.memory_space<vmem_shared>>
    tpu.wait_indirect_dma semaphore(%arg7 : memref<!tpu.dma_semaphore, #tpu.memory_space<semaphore_mem>>) src(%arg5 : memref<512x16xf32, #tpu.memory_space<vmem>>) dst(%dma_wait3A_130 : memref<10240x16xf32, #tpu.memory_space<vmem_shared>>)
    %dma_wait3A_131 = arith.constant 0 : i32
    %dma_wait3A_132 = arith.constant 0 : i32
    %dma_wait3A_133 = tpu.memref_slice %arg4[%dma_wait3A_131, %dma_wait3A_132] : memref<10x512xi32, #tpu.memory_space<vmem>> -> memref<1x512xi32, #tpu.memory_space<vmem>>
    %dma_wait3A_134 = tpu.memref_squeeze %dma_wait3A_133 : memref<1x512xi32, #tpu.memory_space<vmem>> -> memref<512xi32, #tpu.memory_space<vmem>>
    %dma_wait3A_135 = arith.constant 0 : i32
    %dma_wait3A_136 = arith.constant 0 : i32
    %dma_wait3A_137 = tpu.memref_slice %arg8[%dma_wait3A_135, %dma_wait3A_136] : memref<10240x16xf32, #tpu.memory_space<vmem_shared>> -> memref<10240x16xf32, #tpu.memory_space<vmem_shared>>
    tpu.wait_indirect_dma semaphore(%arg7 : memref<!tpu.dma_semaphore, #tpu.memory_space<semaphore_mem>>) src(%arg5 : memref<512x16xf32, #tpu.memory_space<vmem>>) dst(%dma_wait3A_137 : memref<10240x16xf32, #tpu.memory_space<vmem_shared>>)
    %dma_wait3A_138 = arith.constant 0 : i32
    %dma_wait3A_139 = arith.constant 0 : i32
    %dma_wait3A_140 = tpu.memref_slice %arg4[%dma_wait3A_138, %dma_wait3A_139] : memref<10x512xi32, #tpu.memory_space<vmem>> -> memref<1x512xi32, #tpu.memory_space<vmem>>
    %dma_wait3A_141 = tpu.memref_squeeze %dma_wait3A_140 : memref<1x512xi32, #tpu.memory_space<vmem>> -> memref<512xi32, #tpu.memory_space<vmem>>
    %dma_wait3A_142 = arith.constant 0 : i32
    %dma_wait3A_143 = arith.constant 0 : i32
    %dma_wait3A_144 = tpu.memref_slice %arg8[%dma_wait3A_142, %dma_wait3A_143] : memref<10240x16xf32, #tpu.memory_space<vmem_shared>> -> memref<10240x16xf32, #tpu.memory_space<vmem_shared>>
    tpu.wait_indirect_dma semaphore(%arg7 : memref<!tpu.dma_semaphore, #tpu.memory_space<semaphore_mem>>) src(%arg5 : memref<512x16xf32, #tpu.memory_space<vmem>>) dst(%dma_wait3A_144 : memref<10240x16xf32, #tpu.memory_space<vmem_shared>>)
    %dma_wait3A_145 = arith.constant 0 : i32
    %dma_wait3A_146 = arith.constant 0 : i32
    %dma_wait3A_147 = tpu.memref_slice %arg4[%dma_wait3A_145, %dma_wait3A_146] : memref<10x512xi32, #tpu.memory_space<vmem>> -> memref<1x512xi32, #tpu.memory_space<vmem>>
    %dma_wait3A_148 = tpu.memref_squeeze %dma_wait3A_147 : memref<1x512xi32, #tpu.memory_space<vmem>> -> memref<512xi32, #tpu.memory_space<vmem>>
    %dma_wait3A_149 = arith.constant 0 : i32
    %dma_wait3A_150 = arith.constant 0 : i32
    %dma_wait3A_151 = tpu.memref_slice %arg8[%dma_wait3A_149, %dma_wait3A_150] : memref<10240x16xf32, #tpu.memory_space<vmem_shared>> -> memref<10240x16xf32, #tpu.memory_space<vmem_shared>>
    tpu.wait_indirect_dma semaphore(%arg7 : memref<!tpu.dma_semaphore, #tpu.memory_space<semaphore_mem>>) src(%arg5 : memref<512x16xf32, #tpu.memory_space<vmem>>) dst(%dma_wait3A_151 : memref<10240x16xf32, #tpu.memory_space<vmem_shared>>)
    %barrier3A_152 = arith.constant 0 : index
    tpu.barrier barrier_id(%barrier3A_152)
    %mul3A_153 = arith.constant 640 : i32
    %mul3A_154 = arith.muli %arg1, %mul3A_153 : i32
    "tpu.region"() ({
      %run_scoped3A = tpu.sem_alloc : memref<!tpu.dma_semaphore, #tpu.memory_space<semaphore_mem>>
      %dma_start3A_157 = arith.constant 0 : i32
      %dma_start3A_158 = tpu.memref_slice %arg8[%mul3A_154, %dma_start3A_157] : memref<10240x16xf32, #tpu.memory_space<vmem_shared>> -> memref<640x16xf32, #tpu.memory_space<vmem_shared>>
      %dma_start3A_159 = arith.constant 0 : i32
      %dma_start3A_160 = tpu.memref_slice %arg8[%mul3A_154, %dma_start3A_159] : memref<10240x16xf32, #tpu.memory_space<vmem_shared>> -> memref<640x16xf32, #tpu.memory_space<vmem_shared>>
      tpu.enqueue_dma source(%dma_start3A_160 : memref<640x16xf32, #tpu.memory_space<vmem_shared>>) target(%arg6 : memref<640x16xf32, #tpu.memory_space<vmem>>) target_semaphore(%run_scoped3A : memref<!tpu.dma_semaphore, #tpu.memory_space<semaphore_mem>>)
      %dma_wait3A_161 = arith.constant 0 : i32
      %dma_wait3A_162 = tpu.memref_slice %arg8[%mul3A_154, %dma_wait3A_161] : memref<10240x16xf32, #tpu.memory_space<vmem_shared>> -> memref<640x16xf32, #tpu.memory_space<vmem_shared>>
      %dma_wait3A_163 = arith.constant 0 : i32
      %dma_wait3A_164 = tpu.memref_slice %arg8[%mul3A_154, %dma_wait3A_163] : memref<10240x16xf32, #tpu.memory_space<vmem_shared>> -> memref<640x16xf32, #tpu.memory_space<vmem_shared>>
      tpu.wait_dma2 semaphore(%run_scoped3A : memref<!tpu.dma_semaphore, #tpu.memory_space<semaphore_mem>>) src(%dma_wait3A_164 : memref<640x16xf32, #tpu.memory_space<vmem_shared>>) dst(%arg6 : memref<640x16xf32, #tpu.memory_space<vmem>>)
      tpu.yield
    }) : () -> ()
    %mul3A_155 = arith.constant 640 : i32
    %mul3A_156 = arith.muli %arg1, %mul3A_155 : i32
    "tpu.region"() ({
      %run_scoped3A = tpu.sem_alloc : memref<!tpu.dma_semaphore, #tpu.memory_space<semaphore_mem>>
      %dma_start3A_157 = arith.constant 0 : i32
      %dma_start3A_158 = tpu.memref_slice %arg3[%arg0, %mul3A_156, %dma_start3A_157] : memref<2x10240x16xf32, #tpu.memory_space<hbm>> -> memref<1x640x16xf32, #tpu.memory_space<hbm>>
      %dma_start3A_159 = tpu.memref_squeeze %dma_start3A_158 : memref<1x640x16xf32, #tpu.memory_space<hbm>> -> memref<640x16xf32, #tpu.memory_space<hbm>>
      %dma_start3A_160 = arith.constant 0 : i32
      %dma_start3A_161 = tpu.memref_slice %arg3[%arg0, %mul3A_156, %dma_start3A_160] : memref<2x10240x16xf32, #tpu.memory_space<hbm>> -> memref<1x640x16xf32, #tpu.memory_space<hbm>>
      %dma_start3A_162 = tpu.memref_squeeze %dma_start3A_161 : memref<1x640x16xf32, #tpu.memory_space<hbm>> -> memref<640x16xf32, #tpu.memory_space<hbm>>
      tpu.enqueue_dma source(%arg6 : memref<640x16xf32, #tpu.memory_space<vmem>>) target(%dma_start3A_162 : memref<640x16xf32, #tpu.memory_space<hbm>>) target_semaphore(%run_scoped3A : memref<!tpu.dma_semaphore, #tpu.memory_space<semaphore_mem>>)
      %dma_wait3A_163 = arith.constant 0 : i32
      %dma_wait3A_164 = tpu.memref_slice %arg3[%arg0, %mul3A_156, %dma_wait3A_163] : memref<2x10240x16xf32, #tpu.memory_space<hbm>> -> memref<1x640x16xf32, #tpu.memory_space<hbm>>
      %dma_wait3A_165 = tpu.memref_squeeze %dma_wait3A_164 : memref<1x640x16xf32, #tpu.memory_space<hbm>> -> memref<640x16xf32, #tpu.memory_space<hbm>>
      %dma_wait3A_166 = arith.constant 0 : i32
      %dma_wait3A_167 = tpu.memref_slice %arg3[%arg0, %mul3A_156, %dma_wait3A_166] : memref<2x10240x16xf32, #tpu.memory_space<hbm>> -> memref<1x640x16xf32, #tpu.memory_space<hbm>>
      %dma_wait3A_168 = tpu.memref_squeeze %dma_wait3A_167 : memref<1x640x16xf32, #tpu.memory_space<hbm>> -> memref<640x16xf32, #tpu.memory_space<hbm>>
      tpu.wait_dma2 semaphore(%run_scoped3A : memref<!tpu.dma_semaphore, #tpu.memory_space<semaphore_mem>>) src(%arg6 : memref<640x16xf32, #tpu.memory_space<vmem>>) dst(%dma_wait3A_168 : memref<640x16xf32, #tpu.memory_space<hbm>>)
      tpu.yield
    }) : () -> ()
    return
  }
}

#map = affine_map<(d0, d1) -> (0, 0)>
#map1 = affine_map<(d0, d1) -> (0, 0, 0)>
module attributes {stable_mosaic.version = 14 : i64} {
  func.func @_agg_body(%arg0: i32, %arg1: i32, %arg2: memref<10000x32xf32, #tpu.memory_space<hbm>>, %arg3: memref<320x512xi32, #tpu.memory_space<hbm>>, %arg4: memref<320x512xi32, #tpu.memory_space<hbm>>, %arg5: memref<2x10240x32xf32, #tpu.memory_space<hbm>>, %arg6: memref<10x512xi32, #tpu.memory_space<vmem>>, %arg7: memref<10x512xi32, #tpu.memory_space<vmem>>, %arg8: memref<512x32xf32, #tpu.memory_space<vmem>>, %arg9: memref<512x32xf32, #tpu.memory_space<vmem>>, %arg10: memref<640x32xf32, #tpu.memory_space<vmem>>, %arg11: memref<!tpu.dma_semaphore, #tpu.memory_space<semaphore_mem>>, %arg12: memref<!tpu.dma_semaphore, #tpu.memory_space<semaphore_mem>>, %arg13: memref<!tpu.dma_semaphore, #tpu.memory_space<semaphore_mem>>, %arg14: memref<!tpu.dma_semaphore, #tpu.memory_space<semaphore_mem>>, %arg15: memref<10240x32xf32, #tpu.memory_space<vmem_shared>>) attributes {dimension_semantics = [#tpu.dimension_semantics<core_parallel>, #tpu.dimension_semantics<subcore_parallel>], iteration_bounds = array<i64: 2, 16>, scalar_prefetch = 0 : i64, scratch_operands = 10 : i64, tpu.core_type = #tpu.core_type<sc_vector_subcore>, window_params = [{transform_indices = #map}, {transform_indices = #map}, {transform_indices = #map}, {transform_indices = #map1}]} {
    %mul3A = arith.constant 2 : i32
    %mul3A_0 = arith.muli %arg1, %mul3A : i32
    %add3A = arith.addi %mul3A_0, %arg0 : i32
    %scan3A = arith.constant 0 : i32
    %scan3A_1 = arith.constant 640 : i32
    %scan3A_2 = arith.addi %scan3A, %scan3A_1 : i32
    %scan3A_3 = arith.constant 1 : i32
    scf.for %scan3A_47 = %scan3A to %scan3A_2 step %scan3A_3  : i32 {
      %mul3A_48 = arith.constant 1 : i32
      %mul3A_49 = arith.muli %scan3A_47, %mul3A_48 : i32
      %add3A_50 = arith.constant 0 : i32
      %add3A_51 = arith.addi %add3A_50, %mul3A_49 : i32
      %broadcast_in_dim3A = arith.constant 0.000000e+00 : f32
      %broadcast_in_dim3A_52 = vector.broadcast %broadcast_in_dim3A : f32 to vector<16xf32>
      %swap3A = arith.index_cast %add3A_51 : i32 to index
      %swap3A_53 = arith.constant 0 : index
      %swap3A_54 = tpu.vector_load %arg10[%swap3A, %swap3A_53] {strides = array<i32>} : memref<640x32xf32, #tpu.memory_space<vmem>>, vector<1x16xf32>,
      %swap3A_55 = vector.shape_cast %swap3A_54 : vector<1x16xf32> to vector<16xf32>
      %swap3A_56 = vector.shape_cast %broadcast_in_dim3A_52 : vector<16xf32> to vector<1x16xf32>
      tpu.vector_store %arg10[%swap3A, %swap3A_53], %swap3A_56 {strides = array<i32>} : memref<640x32xf32, #tpu.memory_space<vmem>>, vector<1x16xf32>,
      %broadcast_in_dim3A_57 = arith.constant 0.000000e+00 : f32
      %broadcast_in_dim3A_58 = vector.broadcast %broadcast_in_dim3A_57 : f32 to vector<16xf32>
      %swap3A_59 = arith.index_cast %add3A_51 : i32 to index
      %swap3A_60 = arith.constant 16 : index
      %swap3A_61 = tpu.vector_load %arg10[%swap3A_59, %swap3A_60] {strides = array<i32>} : memref<640x32xf32, #tpu.memory_space<vmem>>, vector<1x16xf32>,
      %swap3A_62 = vector.shape_cast %swap3A_61 : vector<1x16xf32> to vector<16xf32>
      %swap3A_63 = vector.shape_cast %broadcast_in_dim3A_58 : vector<16xf32> to vector<1x16xf32>
      tpu.vector_store %arg10[%swap3A_59, %swap3A_60], %swap3A_63 {strides = array<i32>} : memref<640x32xf32, #tpu.memory_space<vmem>>, vector<1x16xf32>,
    }
    %scan3A_4 = arith.constant 640 : i32
    %mul3A_5 = arith.constant 640 : i32
    %mul3A_6 = arith.muli %arg1, %mul3A_5 : i32
    "tpu.region"() ({
      %run_scoped3A = tpu.sem_alloc : memref<!tpu.dma_semaphore, #tpu.memory_space<semaphore_mem>>
      %dma_start3A_47 = arith.constant 0 : i32
      %dma_start3A_48 = tpu.memref_slice %arg15[%mul3A_6, %dma_start3A_47] : memref<10240x32xf32, #tpu.memory_space<vmem_shared>> -> memref<640x32xf32, #tpu.memory_space<vmem_shared>>
      %dma_start3A_49 = arith.constant 0 : i32
      %dma_start3A_50 = tpu.memref_slice %arg15[%mul3A_6, %dma_start3A_49] : memref<10240x32xf32, #tpu.memory_space<vmem_shared>> -> memref<640x32xf32, #tpu.memory_space<vmem_shared>>
      tpu.enqueue_dma source(%arg10 : memref<640x32xf32, #tpu.memory_space<vmem>>) target(%dma_start3A_50 : memref<640x32xf32, #tpu.memory_space<vmem_shared>>) target_semaphore(%run_scoped3A : memref<!tpu.dma_semaphore, #tpu.memory_space<semaphore_mem>>)
      %dma_wait3A_51 = arith.constant 0 : i32
      %dma_wait3A_52 = tpu.memref_slice %arg15[%mul3A_6, %dma_wait3A_51] : memref<10240x32xf32, #tpu.memory_space<vmem_shared>> -> memref<640x32xf32, #tpu.memory_space<vmem_shared>>
      %dma_wait3A_53 = arith.constant 0 : i32
      %dma_wait3A_54 = tpu.memref_slice %arg15[%mul3A_6, %dma_wait3A_53] : memref<10240x32xf32, #tpu.memory_space<vmem_shared>> -> memref<640x32xf32, #tpu.memory_space<vmem_shared>>
      tpu.wait_dma2 semaphore(%run_scoped3A : memref<!tpu.dma_semaphore, #tpu.memory_space<semaphore_mem>>) src(%arg10 : memref<640x32xf32, #tpu.memory_space<vmem>>) dst(%dma_wait3A_54 : memref<640x32xf32, #tpu.memory_space<vmem_shared>>)
      tpu.yield
    }) : () -> ()
    %mul3A_7 = arith.constant 10 : i32
    %mul3A_8 = arith.muli %add3A, %mul3A_7 : i32
    "tpu.region"() ({
      %run_scoped3A = tpu.sem_alloc : memref<!tpu.dma_semaphore, #tpu.memory_space<semaphore_mem>>
      %dma_start3A_47 = arith.constant 0 : i32
      %dma_start3A_48 = tpu.memref_slice %arg3[%mul3A_8, %dma_start3A_47] : memref<320x512xi32, #tpu.memory_space<hbm>> -> memref<10x512xi32, #tpu.memory_space<hbm>>
      %dma_start3A_49 = arith.constant 0 : i32
      %dma_start3A_50 = tpu.memref_slice %arg3[%mul3A_8, %dma_start3A_49] : memref<320x512xi32, #tpu.memory_space<hbm>> -> memref<10x512xi32, #tpu.memory_space<hbm>>
      tpu.enqueue_dma source(%dma_start3A_50 : memref<10x512xi32, #tpu.memory_space<hbm>>) target(%arg6 : memref<10x512xi32, #tpu.memory_space<vmem>>) target_semaphore(%run_scoped3A : memref<!tpu.dma_semaphore, #tpu.memory_space<semaphore_mem>>)
      %dma_wait3A_51 = arith.constant 0 : i32
      %dma_wait3A_52 = tpu.memref_slice %arg3[%mul3A_8, %dma_wait3A_51] : memref<320x512xi32, #tpu.memory_space<hbm>> -> memref<10x512xi32, #tpu.memory_space<hbm>>
      %dma_wait3A_53 = arith.constant 0 : i32
      %dma_wait3A_54 = tpu.memref_slice %arg3[%mul3A_8, %dma_wait3A_53] : memref<320x512xi32, #tpu.memory_space<hbm>> -> memref<10x512xi32, #tpu.memory_space<hbm>>
      tpu.wait_dma2 semaphore(%run_scoped3A : memref<!tpu.dma_semaphore, #tpu.memory_space<semaphore_mem>>) src(%dma_wait3A_54 : memref<10x512xi32, #tpu.memory_space<hbm>>) dst(%arg6 : memref<10x512xi32, #tpu.memory_space<vmem>>)
      tpu.yield
    }) : () -> ()
    %mul3A_9 = arith.constant 10 : i32
    %mul3A_10 = arith.muli %add3A, %mul3A_9 : i32
    "tpu.region"() ({
      %run_scoped3A = tpu.sem_alloc : memref<!tpu.dma_semaphore, #tpu.memory_space<semaphore_mem>>
      %dma_start3A_47 = arith.constant 0 : i32
      %dma_start3A_48 = tpu.memref_slice %arg4[%mul3A_10, %dma_start3A_47] : memref<320x512xi32, #tpu.memory_space<hbm>> -> memref<10x512xi32, #tpu.memory_space<hbm>>
      %dma_start3A_49 = arith.constant 0 : i32
      %dma_start3A_50 = tpu.memref_slice %arg4[%mul3A_10, %dma_start3A_49] : memref<320x512xi32, #tpu.memory_space<hbm>> -> memref<10x512xi32, #tpu.memory_space<hbm>>
      tpu.enqueue_dma source(%dma_start3A_50 : memref<10x512xi32, #tpu.memory_space<hbm>>) target(%arg7 : memref<10x512xi32, #tpu.memory_space<vmem>>) target_semaphore(%run_scoped3A : memref<!tpu.dma_semaphore, #tpu.memory_space<semaphore_mem>>)
      %dma_wait3A_51 = arith.constant 0 : i32
      %dma_wait3A_52 = tpu.memref_slice %arg4[%mul3A_10, %dma_wait3A_51] : memref<320x512xi32, #tpu.memory_space<hbm>> -> memref<10x512xi32, #tpu.memory_space<hbm>>
      %dma_wait3A_53 = arith.constant 0 : i32
      %dma_wait3A_54 = tpu.memref_slice %arg4[%mul3A_10, %dma_wait3A_53] : memref<320x512xi32, #tpu.memory_space<hbm>> -> memref<10x512xi32, #tpu.memory_space<hbm>>
      tpu.wait_dma2 semaphore(%run_scoped3A : memref<!tpu.dma_semaphore, #tpu.memory_space<semaphore_mem>>) src(%dma_wait3A_54 : memref<10x512xi32, #tpu.memory_space<hbm>>) dst(%arg7 : memref<10x512xi32, #tpu.memory_space<vmem>>)
      tpu.yield
    }) : () -> ()
    %barrier3A = arith.constant 0 : index
    tpu.barrier barrier_id(%barrier3A)
    %dma_start3A = arith.constant 0 : i32
    %dma_start3A_11 = arith.constant 0 : i32
    %dma_start3A_12 = tpu.memref_slice %arg6[%dma_start3A, %dma_start3A_11] : memref<10x512xi32, #tpu.memory_space<vmem>> -> memref<1x512xi32, #tpu.memory_space<vmem>>
    %dma_start3A_13 = tpu.memref_squeeze %dma_start3A_12 : memref<1x512xi32, #tpu.memory_space<vmem>> -> memref<512xi32, #tpu.memory_space<vmem>>
    %dma_start3A_14 = arith.constant 0 : i32
    %dma_start3A_15 = arith.constant 0 : i32
    %dma_start3A_16 = tpu.memref_slice %arg2[%dma_start3A_14, %dma_start3A_15] : memref<10000x32xf32, #tpu.memory_space<hbm>> -> memref<10000x32xf32, #tpu.memory_space<hbm>>
    tpu.enqueue_indirect_dma source(%dma_start3A_16 : memref<10000x32xf32, #tpu.memory_space<hbm>>) target(%arg8 : memref<512x32xf32, #tpu.memory_space<vmem>>) offsets(%dma_start3A_13 : memref<512xi32, #tpu.memory_space<vmem>>) semaphore(%arg11 : memref<!tpu.dma_semaphore, #tpu.memory_space<semaphore_mem>>)
    %dma_start3A_17 = arith.constant 1 : i32
    %dma_start3A_18 = arith.constant 0 : i32
    %dma_start3A_19 = tpu.memref_slice %arg6[%dma_start3A_17, %dma_start3A_18] : memref<10x512xi32, #tpu.memory_space<vmem>> -> memref<1x512xi32, #tpu.memory_space<vmem>>
    %dma_start3A_20 = tpu.memref_squeeze %dma_start3A_19 : memref<1x512xi32, #tpu.memory_space<vmem>> -> memref<512xi32, #tpu.memory_space<vmem>>
    %dma_start3A_21 = arith.constant 0 : i32
    %dma_start3A_22 = arith.constant 0 : i32
    %dma_start3A_23 = tpu.memref_slice %arg2[%dma_start3A_21, %dma_start3A_22] : memref<10000x32xf32, #tpu.memory_space<hbm>> -> memref<10000x32xf32, #tpu.memory_space<hbm>>
    tpu.enqueue_indirect_dma source(%dma_start3A_23 : memref<10000x32xf32, #tpu.memory_space<hbm>>) target(%arg9 : memref<512x32xf32, #tpu.memory_space<vmem>>) offsets(%dma_start3A_20 : memref<512xi32, #tpu.memory_space<vmem>>) semaphore(%arg12 : memref<!tpu.dma_semaphore, #tpu.memory_space<semaphore_mem>>)
    %scan3A_24 = arith.constant 0 : i32
    %scan3A_25 = arith.constant 5 : i32
    %scan3A_26 = arith.addi %scan3A_24, %scan3A_25 : i32
    %scan3A_27 = arith.constant 1 : i32
    scf.for %scan3A_47 = %scan3A_24 to %scan3A_26 step %scan3A_27  : i32 {
      %mul3A_48 = arith.constant 1 : i32
      %mul3A_49 = arith.muli %scan3A_47, %mul3A_48 : i32
      %add3A_50 = arith.constant 0 : i32
      %add3A_51 = arith.addi %add3A_50, %mul3A_49 : i32
      %mul3A_52 = arith.constant 2 : i32
      %mul3A_53 = arith.muli %add3A_51, %mul3A_52 : i32
      %add3A_54 = arith.constant 0 : i32
      %add3A_55 = arith.addi %mul3A_53, %add3A_54 : i32
      %dma_wait3A_56 = arith.constant 0 : i32
      %dma_wait3A_57 = arith.constant 0 : i32
      %dma_wait3A_58 = tpu.memref_slice %arg6[%dma_wait3A_56, %dma_wait3A_57] : memref<10x512xi32, #tpu.memory_space<vmem>> -> memref<1x512xi32, #tpu.memory_space<vmem>>
      %dma_wait3A_59 = tpu.memref_squeeze %dma_wait3A_58 : memref<1x512xi32, #tpu.memory_space<vmem>> -> memref<512xi32, #tpu.memory_space<vmem>>
      %dma_wait3A_60 = arith.constant 0 : i32
      %dma_wait3A_61 = arith.constant 0 : i32
      %dma_wait3A_62 = tpu.memref_slice %arg2[%dma_wait3A_60, %dma_wait3A_61] : memref<10000x32xf32, #tpu.memory_space<hbm>> -> memref<10000x32xf32, #tpu.memory_space<hbm>>
      tpu.wait_indirect_dma semaphore(%arg11 : memref<!tpu.dma_semaphore, #tpu.memory_space<semaphore_mem>>) src(%dma_wait3A_62 : memref<10000x32xf32, #tpu.memory_space<hbm>>) dst(%arg8 : memref<512x32xf32, #tpu.memory_space<vmem>>)
      %dma_start3A_63 = arith.constant 0 : i32
      %dma_start3A_64 = tpu.memref_slice %arg7[%add3A_55, %dma_start3A_63] : memref<10x512xi32, #tpu.memory_space<vmem>> -> memref<1x512xi32, #tpu.memory_space<vmem>>
      %dma_start3A_65 = tpu.memref_squeeze %dma_start3A_64 : memref<1x512xi32, #tpu.memory_space<vmem>> -> memref<512xi32, #tpu.memory_space<vmem>>
      %dma_start3A_66 = arith.constant 0 : i32
      %dma_start3A_67 = arith.constant 0 : i32
      %dma_start3A_68 = tpu.memref_slice %arg15[%dma_start3A_66, %dma_start3A_67] : memref<10240x32xf32, #tpu.memory_space<vmem_shared>> -> memref<10240x32xf32, #tpu.memory_space<vmem_shared>>
      tpu.enqueue_indirect_dma source(%arg8 : memref<512x32xf32, #tpu.memory_space<vmem>>) target(%dma_start3A_68 : memref<10240x32xf32, #tpu.memory_space<vmem_shared>>) offsets(%dma_start3A_65 : memref<512xi32, #tpu.memory_space<vmem>>) semaphore(%arg13 : memref<!tpu.dma_semaphore, #tpu.memory_space<semaphore_mem>>) {add = true}
      %add3A_69 = arith.constant 2 : i32
      %add3A_70 = arith.addi %add3A_55, %add3A_69 : i32
      %lt3A = arith.constant 10 : i32
      %lt3A_71 = arith.cmpi slt, %add3A_70, %lt3A : i32
      %convert_element_type3A = arith.extui %lt3A_71 : i1 to i32
      %cond3A = arith.constant 0 : i32
      %cond3A_72 = arith.cmpi ne, %convert_element_type3A, %cond3A : i32
      scf.if %cond3A_72 {
        %dma_wait3A_97 = arith.constant 0 : i32
        %dma_wait3A_98 = arith.constant 0 : i32
        %dma_wait3A_99 = tpu.memref_slice %arg7[%dma_wait3A_97, %dma_wait3A_98] : memref<10x512xi32, #tpu.memory_space<vmem>> -> memref<1x512xi32, #tpu.memory_space<vmem>>
        %dma_wait3A_100 = tpu.memref_squeeze %dma_wait3A_99 : memref<1x512xi32, #tpu.memory_space<vmem>> -> memref<512xi32, #tpu.memory_space<vmem>>
        %dma_wait3A_101 = arith.constant 0 : i32
        %dma_wait3A_102 = arith.constant 0 : i32
        %dma_wait3A_103 = tpu.memref_slice %arg15[%dma_wait3A_101, %dma_wait3A_102] : memref<10240x32xf32, #tpu.memory_space<vmem_shared>> -> memref<10240x32xf32, #tpu.memory_space<vmem_shared>>
        tpu.wait_indirect_dma semaphore(%arg13 : memref<!tpu.dma_semaphore, #tpu.memory_space<semaphore_mem>>) src(%arg8 : memref<512x32xf32, #tpu.memory_space<vmem>>) dst(%dma_wait3A_103 : memref<10240x32xf32, #tpu.memory_space<vmem_shared>>)
        %dma_start3A_104 = arith.constant 0 : i32
        %dma_start3A_105 = tpu.memref_slice %arg6[%add3A_70, %dma_start3A_104] : memref<10x512xi32, #tpu.memory_space<vmem>> -> memref<1x512xi32, #tpu.memory_space<vmem>>
        %dma_start3A_106 = tpu.memref_squeeze %dma_start3A_105 : memref<1x512xi32, #tpu.memory_space<vmem>> -> memref<512xi32, #tpu.memory_space<vmem>>
        %dma_start3A_107 = arith.constant 0 : i32
        %dma_start3A_108 = arith.constant 0 : i32
        %dma_start3A_109 = tpu.memref_slice %arg2[%dma_start3A_107, %dma_start3A_108] : memref<10000x32xf32, #tpu.memory_space<hbm>> -> memref<10000x32xf32, #tpu.memory_space<hbm>>
        tpu.enqueue_indirect_dma source(%dma_start3A_109 : memref<10000x32xf32, #tpu.memory_space<hbm>>) target(%arg8 : memref<512x32xf32, #tpu.memory_space<vmem>>) offsets(%dma_start3A_106 : memref<512xi32, #tpu.memory_space<vmem>>) semaphore(%arg11 : memref<!tpu.dma_semaphore, #tpu.memory_space<semaphore_mem>>)
      } else {
      }
      %mul3A_73 = arith.constant 2 : i32
      %mul3A_74 = arith.muli %add3A_51, %mul3A_73 : i32
      %add3A_75 = arith.constant 1 : i32
      %add3A_76 = arith.addi %mul3A_74, %add3A_75 : i32
      %dma_wait3A_77 = arith.constant 0 : i32
      %dma_wait3A_78 = arith.constant 0 : i32
      %dma_wait3A_79 = tpu.memref_slice %arg6[%dma_wait3A_77, %dma_wait3A_78] : memref<10x512xi32, #tpu.memory_space<vmem>> -> memref<1x512xi32, #tpu.memory_space<vmem>>
      %dma_wait3A_80 = tpu.memref_squeeze %dma_wait3A_79 : memref<1x512xi32, #tpu.memory_space<vmem>> -> memref<512xi32, #tpu.memory_space<vmem>>
      %dma_wait3A_81 = arith.constant 0 : i32
      %dma_wait3A_82 = arith.constant 0 : i32
      %dma_wait3A_83 = tpu.memref_slice %arg2[%dma_wait3A_81, %dma_wait3A_82] : memref<10000x32xf32, #tpu.memory_space<hbm>> -> memref<10000x32xf32, #tpu.memory_space<hbm>>
      tpu.wait_indirect_dma semaphore(%arg12 : memref<!tpu.dma_semaphore, #tpu.memory_space<semaphore_mem>>) src(%dma_wait3A_83 : memref<10000x32xf32, #tpu.memory_space<hbm>>) dst(%arg9 : memref<512x32xf32, #tpu.memory_space<vmem>>)
      %dma_start3A_84 = arith.constant 0 : i32
      %dma_start3A_85 = tpu.memref_slice %arg7[%add3A_76, %dma_start3A_84] : memref<10x512xi32, #tpu.memory_space<vmem>> -> memref<1x512xi32, #tpu.memory_space<vmem>>
      %dma_start3A_86 = tpu.memref_squeeze %dma_start3A_85 : memref<1x512xi32, #tpu.memory_space<vmem>> -> memref<512xi32, #tpu.memory_space<vmem>>
      %dma_start3A_87 = arith.constant 0 : i32
      %dma_start3A_88 = arith.constant 0 : i32
      %dma_start3A_89 = tpu.memref_slice %arg15[%dma_start3A_87, %dma_start3A_88] : memref<10240x32xf32, #tpu.memory_space<vmem_shared>> -> memref<10240x32xf32, #tpu.memory_space<vmem_shared>>
      tpu.enqueue_indirect_dma source(%arg9 : memref<512x32xf32, #tpu.memory_space<vmem>>) target(%dma_start3A_89 : memref<10240x32xf32, #tpu.memory_space<vmem_shared>>) offsets(%dma_start3A_86 : memref<512xi32, #tpu.memory_space<vmem>>) semaphore(%arg14 : memref<!tpu.dma_semaphore, #tpu.memory_space<semaphore_mem>>) {add = true}
      %add3A_90 = arith.constant 2 : i32
      %add3A_91 = arith.addi %add3A_76, %add3A_90 : i32
      %lt3A_92 = arith.constant 10 : i32
      %lt3A_93 = arith.cmpi slt, %add3A_91, %lt3A_92 : i32
      %convert_element_type3A_94 = arith.extui %lt3A_93 : i1 to i32
      %cond3A_95 = arith.constant 0 : i32
      %cond3A_96 = arith.cmpi ne, %convert_element_type3A_94, %cond3A_95 : i32
      scf.if %cond3A_96 {
        %dma_wait3A_97 = arith.constant 0 : i32
        %dma_wait3A_98 = arith.constant 0 : i32
        %dma_wait3A_99 = tpu.memref_slice %arg7[%dma_wait3A_97, %dma_wait3A_98] : memref<10x512xi32, #tpu.memory_space<vmem>> -> memref<1x512xi32, #tpu.memory_space<vmem>>
        %dma_wait3A_100 = tpu.memref_squeeze %dma_wait3A_99 : memref<1x512xi32, #tpu.memory_space<vmem>> -> memref<512xi32, #tpu.memory_space<vmem>>
        %dma_wait3A_101 = arith.constant 0 : i32
        %dma_wait3A_102 = arith.constant 0 : i32
        %dma_wait3A_103 = tpu.memref_slice %arg15[%dma_wait3A_101, %dma_wait3A_102] : memref<10240x32xf32, #tpu.memory_space<vmem_shared>> -> memref<10240x32xf32, #tpu.memory_space<vmem_shared>>
        tpu.wait_indirect_dma semaphore(%arg14 : memref<!tpu.dma_semaphore, #tpu.memory_space<semaphore_mem>>) src(%arg9 : memref<512x32xf32, #tpu.memory_space<vmem>>) dst(%dma_wait3A_103 : memref<10240x32xf32, #tpu.memory_space<vmem_shared>>)
        %dma_start3A_104 = arith.constant 0 : i32
        %dma_start3A_105 = tpu.memref_slice %arg6[%add3A_91, %dma_start3A_104] : memref<10x512xi32, #tpu.memory_space<vmem>> -> memref<1x512xi32, #tpu.memory_space<vmem>>
        %dma_start3A_106 = tpu.memref_squeeze %dma_start3A_105 : memref<1x512xi32, #tpu.memory_space<vmem>> -> memref<512xi32, #tpu.memory_space<vmem>>
        %dma_start3A_107 = arith.constant 0 : i32
        %dma_start3A_108 = arith.constant 0 : i32
        %dma_start3A_109 = tpu.memref_slice %arg2[%dma_start3A_107, %dma_start3A_108] : memref<10000x32xf32, #tpu.memory_space<hbm>> -> memref<10000x32xf32, #tpu.memory_space<hbm>>
        tpu.enqueue_indirect_dma source(%dma_start3A_109 : memref<10000x32xf32, #tpu.memory_space<hbm>>) target(%arg9 : memref<512x32xf32, #tpu.memory_space<vmem>>) offsets(%dma_start3A_106 : memref<512xi32, #tpu.memory_space<vmem>>) semaphore(%arg12 : memref<!tpu.dma_semaphore, #tpu.memory_space<semaphore_mem>>)
      } else {
      }
    }
    %scan3A_28 = arith.constant 5 : i32
    %dma_wait3A = arith.constant 0 : i32
    %dma_wait3A_29 = arith.constant 0 : i32
    %dma_wait3A_30 = tpu.memref_slice %arg7[%dma_wait3A, %dma_wait3A_29] : memref<10x512xi32, #tpu.memory_space<vmem>> -> memref<1x512xi32, #tpu.memory_space<vmem>>
    %dma_wait3A_31 = tpu.memref_squeeze %dma_wait3A_30 : memref<1x512xi32, #tpu.memory_space<vmem>> -> memref<512xi32, #tpu.memory_space<vmem>>
    %dma_wait3A_32 = arith.constant 0 : i32
    %dma_wait3A_33 = arith.constant 0 : i32
    %dma_wait3A_34 = tpu.memref_slice %arg15[%dma_wait3A_32, %dma_wait3A_33] : memref<10240x32xf32, #tpu.memory_space<vmem_shared>> -> memref<10240x32xf32, #tpu.memory_space<vmem_shared>>
    tpu.wait_indirect_dma semaphore(%arg13 : memref<!tpu.dma_semaphore, #tpu.memory_space<semaphore_mem>>) src(%arg8 : memref<512x32xf32, #tpu.memory_space<vmem>>) dst(%dma_wait3A_34 : memref<10240x32xf32, #tpu.memory_space<vmem_shared>>)
    %dma_wait3A_35 = arith.constant 0 : i32
    %dma_wait3A_36 = arith.constant 0 : i32
    %dma_wait3A_37 = tpu.memref_slice %arg7[%dma_wait3A_35, %dma_wait3A_36] : memref<10x512xi32, #tpu.memory_space<vmem>> -> memref<1x512xi32, #tpu.memory_space<vmem>>
    %dma_wait3A_38 = tpu.memref_squeeze %dma_wait3A_37 : memref<1x512xi32, #tpu.memory_space<vmem>> -> memref<512xi32, #tpu.memory_space<vmem>>
    %dma_wait3A_39 = arith.constant 0 : i32
    %dma_wait3A_40 = arith.constant 0 : i32
    %dma_wait3A_41 = tpu.memref_slice %arg15[%dma_wait3A_39, %dma_wait3A_40] : memref<10240x32xf32, #tpu.memory_space<vmem_shared>> -> memref<10240x32xf32, #tpu.memory_space<vmem_shared>>
    tpu.wait_indirect_dma semaphore(%arg14 : memref<!tpu.dma_semaphore, #tpu.memory_space<semaphore_mem>>) src(%arg9 : memref<512x32xf32, #tpu.memory_space<vmem>>) dst(%dma_wait3A_41 : memref<10240x32xf32, #tpu.memory_space<vmem_shared>>)
    %barrier3A_42 = arith.constant 0 : index
    tpu.barrier barrier_id(%barrier3A_42)
    %mul3A_43 = arith.constant 640 : i32
    %mul3A_44 = arith.muli %arg1, %mul3A_43 : i32
    "tpu.region"() ({
      %run_scoped3A = tpu.sem_alloc : memref<!tpu.dma_semaphore, #tpu.memory_space<semaphore_mem>>
      %dma_start3A_47 = arith.constant 0 : i32
      %dma_start3A_48 = tpu.memref_slice %arg15[%mul3A_44, %dma_start3A_47] : memref<10240x32xf32, #tpu.memory_space<vmem_shared>> -> memref<640x32xf32, #tpu.memory_space<vmem_shared>>
      %dma_start3A_49 = arith.constant 0 : i32
      %dma_start3A_50 = tpu.memref_slice %arg15[%mul3A_44, %dma_start3A_49] : memref<10240x32xf32, #tpu.memory_space<vmem_shared>> -> memref<640x32xf32, #tpu.memory_space<vmem_shared>>
      tpu.enqueue_dma source(%dma_start3A_50 : memref<640x32xf32, #tpu.memory_space<vmem_shared>>) target(%arg10 : memref<640x32xf32, #tpu.memory_space<vmem>>) target_semaphore(%run_scoped3A : memref<!tpu.dma_semaphore, #tpu.memory_space<semaphore_mem>>)
      %dma_wait3A_51 = arith.constant 0 : i32
      %dma_wait3A_52 = tpu.memref_slice %arg15[%mul3A_44, %dma_wait3A_51] : memref<10240x32xf32, #tpu.memory_space<vmem_shared>> -> memref<640x32xf32, #tpu.memory_space<vmem_shared>>
      %dma_wait3A_53 = arith.constant 0 : i32
      %dma_wait3A_54 = tpu.memref_slice %arg15[%mul3A_44, %dma_wait3A_53] : memref<10240x32xf32, #tpu.memory_space<vmem_shared>> -> memref<640x32xf32, #tpu.memory_space<vmem_shared>>
      tpu.wait_dma2 semaphore(%run_scoped3A : memref<!tpu.dma_semaphore, #tpu.memory_space<semaphore_mem>>) src(%dma_wait3A_54 : memref<640x32xf32, #tpu.memory_space<vmem_shared>>) dst(%arg10 : memref<640x32xf32, #tpu.memory_space<vmem>>)
      tpu.yield
    }) : () -> ()
    %mul3A_45 = arith.constant 640 : i32
    %mul3A_46 = arith.muli %arg1, %mul3A_45 : i32
    "tpu.region"() ({
      %run_scoped3A = tpu.sem_alloc : memref<!tpu.dma_semaphore, #tpu.memory_space<semaphore_mem>>
      %dma_start3A_47 = arith.constant 0 : i32
      %dma_start3A_48 = tpu.memref_slice %arg5[%arg0, %mul3A_46, %dma_start3A_47] : memref<2x10240x32xf32, #tpu.memory_space<hbm>> -> memref<1x640x32xf32, #tpu.memory_space<hbm>>
      %dma_start3A_49 = tpu.memref_squeeze %dma_start3A_48 : memref<1x640x32xf32, #tpu.memory_space<hbm>> -> memref<640x32xf32, #tpu.memory_space<hbm>>
      %dma_start3A_50 = arith.constant 0 : i32
      %dma_start3A_51 = tpu.memref_slice %arg5[%arg0, %mul3A_46, %dma_start3A_50] : memref<2x10240x32xf32, #tpu.memory_space<hbm>> -> memref<1x640x32xf32, #tpu.memory_space<hbm>>
      %dma_start3A_52 = tpu.memref_squeeze %dma_start3A_51 : memref<1x640x32xf32, #tpu.memory_space<hbm>> -> memref<640x32xf32, #tpu.memory_space<hbm>>
      tpu.enqueue_dma source(%arg10 : memref<640x32xf32, #tpu.memory_space<vmem>>) target(%dma_start3A_52 : memref<640x32xf32, #tpu.memory_space<hbm>>) target_semaphore(%run_scoped3A : memref<!tpu.dma_semaphore, #tpu.memory_space<semaphore_mem>>)
      %dma_wait3A_53 = arith.constant 0 : i32
      %dma_wait3A_54 = tpu.memref_slice %arg5[%arg0, %mul3A_46, %dma_wait3A_53] : memref<2x10240x32xf32, #tpu.memory_space<hbm>> -> memref<1x640x32xf32, #tpu.memory_space<hbm>>
      %dma_wait3A_55 = tpu.memref_squeeze %dma_wait3A_54 : memref<1x640x32xf32, #tpu.memory_space<hbm>> -> memref<640x32xf32, #tpu.memory_space<hbm>>
      %dma_wait3A_56 = arith.constant 0 : i32
      %dma_wait3A_57 = tpu.memref_slice %arg5[%arg0, %mul3A_46, %dma_wait3A_56] : memref<2x10240x32xf32, #tpu.memory_space<hbm>> -> memref<1x640x32xf32, #tpu.memory_space<hbm>>
      %dma_wait3A_58 = tpu.memref_squeeze %dma_wait3A_57 : memref<1x640x32xf32, #tpu.memory_space<hbm>> -> memref<640x32xf32, #tpu.memory_space<hbm>>
      tpu.wait_dma2 semaphore(%run_scoped3A : memref<!tpu.dma_semaphore, #tpu.memory_space<semaphore_mem>>) src(%arg10 : memref<640x32xf32, #tpu.memory_space<vmem>>) dst(%dma_wait3A_58 : memref<640x32xf32, #tpu.memory_space<hbm>>)
      tpu.yield
    }) : () -> ()
    return
  }
}

#map = affine_map<(d0, d1) -> (0, 0)>
#map1 = affine_map<(d0, d1) -> (0, 0, 0)>
module attributes {stable_mosaic.version = 14 : i64} {
  func.func @_agg_body(%arg0: i32, %arg1: i32, %arg2: memref<10000x32xf32, #tpu.memory_space<hbm>>, %arg3: memref<320x512xi32, #tpu.memory_space<hbm>>, %arg4: memref<320x512xi32, #tpu.memory_space<hbm>>, %arg5: memref<2x10240x32xf32, #tpu.memory_space<hbm>>, %arg6: memref<10x512xi32, #tpu.memory_space<vmem>>, %arg7: memref<10x512xi32, #tpu.memory_space<vmem>>, %arg8: memref<512x32xf32, #tpu.memory_space<vmem>>, %arg9: memref<512x32xf32, #tpu.memory_space<vmem>>, %arg10: memref<640x32xf32, #tpu.memory_space<vmem>>, %arg11: memref<!tpu.dma_semaphore, #tpu.memory_space<semaphore_mem>>, %arg12: memref<!tpu.dma_semaphore, #tpu.memory_space<semaphore_mem>>, %arg13: memref<!tpu.dma_semaphore, #tpu.memory_space<semaphore_mem>>, %arg14: memref<!tpu.dma_semaphore, #tpu.memory_space<semaphore_mem>>, %arg15: memref<10240x32xf32, #tpu.memory_space<vmem_shared>>) attributes {dimension_semantics = [#tpu.dimension_semantics<core_parallel>, #tpu.dimension_semantics<subcore_parallel>], iteration_bounds = array<i64: 2, 16>, scalar_prefetch = 0 : i64, scratch_operands = 10 : i64, tpu.core_type = #tpu.core_type<sc_vector_subcore>, window_params = [{transform_indices = #map}, {transform_indices = #map}, {transform_indices = #map}, {transform_indices = #map1}]} {
    %mul3A = arith.constant 2 : i32
    %mul3A_0 = arith.muli %arg1, %mul3A : i32
    %add3A = arith.addi %mul3A_0, %arg0 : i32
    %scan3A = arith.constant 0 : i32
    %scan3A_1 = arith.constant 640 : i32
    %scan3A_2 = arith.addi %scan3A, %scan3A_1 : i32
    %scan3A_3 = arith.constant 1 : i32
    scf.for %scan3A_47 = %scan3A to %scan3A_2 step %scan3A_3  : i32 {
      %mul3A_48 = arith.constant 1 : i32
      %mul3A_49 = arith.muli %scan3A_47, %mul3A_48 : i32
      %add3A_50 = arith.constant 0 : i32
      %add3A_51 = arith.addi %add3A_50, %mul3A_49 : i32
      %broadcast_in_dim3A = arith.constant 0.000000e+00 : f32
      %broadcast_in_dim3A_52 = vector.broadcast %broadcast_in_dim3A : f32 to vector<16xf32>
      %swap3A = arith.index_cast %add3A_51 : i32 to index
      %swap3A_53 = arith.constant 0 : index
      %swap3A_54 = tpu.vector_load %arg10[%swap3A, %swap3A_53] {strides = array<i32>} : memref<640x32xf32, #tpu.memory_space<vmem>>, vector<1x16xf32>,
      %swap3A_55 = vector.shape_cast %swap3A_54 : vector<1x16xf32> to vector<16xf32>
      %swap3A_56 = vector.shape_cast %broadcast_in_dim3A_52 : vector<16xf32> to vector<1x16xf32>
      tpu.vector_store %arg10[%swap3A, %swap3A_53], %swap3A_56 {strides = array<i32>} : memref<640x32xf32, #tpu.memory_space<vmem>>, vector<1x16xf32>,
      %broadcast_in_dim3A_57 = arith.constant 0.000000e+00 : f32
      %broadcast_in_dim3A_58 = vector.broadcast %broadcast_in_dim3A_57 : f32 to vector<16xf32>
      %swap3A_59 = arith.index_cast %add3A_51 : i32 to index
      %swap3A_60 = arith.constant 16 : index
      %swap3A_61 = tpu.vector_load %arg10[%swap3A_59, %swap3A_60] {strides = array<i32>} : memref<640x32xf32, #tpu.memory_space<vmem>>, vector<1x16xf32>,
      %swap3A_62 = vector.shape_cast %swap3A_61 : vector<1x16xf32> to vector<16xf32>
      %swap3A_63 = vector.shape_cast %broadcast_in_dim3A_58 : vector<16xf32> to vector<1x16xf32>
      tpu.vector_store %arg10[%swap3A_59, %swap3A_60], %swap3A_63 {strides = array<i32>} : memref<640x32xf32, #tpu.memory_space<vmem>>, vector<1x16xf32>,
    }
    %scan3A_4 = arith.constant 640 : i32
    %mul3A_5 = arith.constant 640 : i32
    %mul3A_6 = arith.muli %arg1, %mul3A_5 : i32
    "tpu.region"() ({
      %run_scoped3A = tpu.sem_alloc : memref<!tpu.dma_semaphore, #tpu.memory_space<semaphore_mem>>
      %dma_start3A_47 = arith.constant 0 : i32
      %dma_start3A_48 = tpu.memref_slice %arg15[%mul3A_6, %dma_start3A_47] : memref<10240x32xf32, #tpu.memory_space<vmem_shared>> -> memref<640x32xf32, #tpu.memory_space<vmem_shared>>
      %dma_start3A_49 = arith.constant 0 : i32
      %dma_start3A_50 = tpu.memref_slice %arg15[%mul3A_6, %dma_start3A_49] : memref<10240x32xf32, #tpu.memory_space<vmem_shared>> -> memref<640x32xf32, #tpu.memory_space<vmem_shared>>
      tpu.enqueue_dma source(%arg10 : memref<640x32xf32, #tpu.memory_space<vmem>>) target(%dma_start3A_50 : memref<640x32xf32, #tpu.memory_space<vmem_shared>>) target_semaphore(%run_scoped3A : memref<!tpu.dma_semaphore, #tpu.memory_space<semaphore_mem>>)
      %dma_wait3A_51 = arith.constant 0 : i32
      %dma_wait3A_52 = tpu.memref_slice %arg15[%mul3A_6, %dma_wait3A_51] : memref<10240x32xf32, #tpu.memory_space<vmem_shared>> -> memref<640x32xf32, #tpu.memory_space<vmem_shared>>
      %dma_wait3A_53 = arith.constant 0 : i32
      %dma_wait3A_54 = tpu.memref_slice %arg15[%mul3A_6, %dma_wait3A_53] : memref<10240x32xf32, #tpu.memory_space<vmem_shared>> -> memref<640x32xf32, #tpu.memory_space<vmem_shared>>
      tpu.wait_dma2 semaphore(%run_scoped3A : memref<!tpu.dma_semaphore, #tpu.memory_space<semaphore_mem>>) src(%arg10 : memref<640x32xf32, #tpu.memory_space<vmem>>) dst(%dma_wait3A_54 : memref<640x32xf32, #tpu.memory_space<vmem_shared>>)
      tpu.yield
    }) : () -> ()
    %mul3A_7 = arith.constant 10 : i32
    %mul3A_8 = arith.muli %add3A, %mul3A_7 : i32
    "tpu.region"() ({
      %run_scoped3A = tpu.sem_alloc : memref<!tpu.dma_semaphore, #tpu.memory_space<semaphore_mem>>
      %dma_start3A_47 = arith.constant 0 : i32
      %dma_start3A_48 = tpu.memref_slice %arg3[%mul3A_8, %dma_start3A_47] : memref<320x512xi32, #tpu.memory_space<hbm>> -> memref<10x512xi32, #tpu.memory_space<hbm>>
      %dma_start3A_49 = arith.constant 0 : i32
      %dma_start3A_50 = tpu.memref_slice %arg3[%mul3A_8, %dma_start3A_49] : memref<320x512xi32, #tpu.memory_space<hbm>> -> memref<10x512xi32, #tpu.memory_space<hbm>>
      tpu.enqueue_dma source(%dma_start3A_50 : memref<10x512xi32, #tpu.memory_space<hbm>>) target(%arg6 : memref<10x512xi32, #tpu.memory_space<vmem>>) target_semaphore(%run_scoped3A : memref<!tpu.dma_semaphore, #tpu.memory_space<semaphore_mem>>)
      %dma_wait3A_51 = arith.constant 0 : i32
      %dma_wait3A_52 = tpu.memref_slice %arg3[%mul3A_8, %dma_wait3A_51] : memref<320x512xi32, #tpu.memory_space<hbm>> -> memref<10x512xi32, #tpu.memory_space<hbm>>
      %dma_wait3A_53 = arith.constant 0 : i32
      %dma_wait3A_54 = tpu.memref_slice %arg3[%mul3A_8, %dma_wait3A_53] : memref<320x512xi32, #tpu.memory_space<hbm>> -> memref<10x512xi32, #tpu.memory_space<hbm>>
      tpu.wait_dma2 semaphore(%run_scoped3A : memref<!tpu.dma_semaphore, #tpu.memory_space<semaphore_mem>>) src(%dma_wait3A_54 : memref<10x512xi32, #tpu.memory_space<hbm>>) dst(%arg6 : memref<10x512xi32, #tpu.memory_space<vmem>>)
      tpu.yield
    }) : () -> ()
    %mul3A_9 = arith.constant 10 : i32
    %mul3A_10 = arith.muli %add3A, %mul3A_9 : i32
    "tpu.region"() ({
      %run_scoped3A = tpu.sem_alloc : memref<!tpu.dma_semaphore, #tpu.memory_space<semaphore_mem>>
      %dma_start3A_47 = arith.constant 0 : i32
      %dma_start3A_48 = tpu.memref_slice %arg4[%mul3A_10, %dma_start3A_47] : memref<320x512xi32, #tpu.memory_space<hbm>> -> memref<10x512xi32, #tpu.memory_space<hbm>>
      %dma_start3A_49 = arith.constant 0 : i32
      %dma_start3A_50 = tpu.memref_slice %arg4[%mul3A_10, %dma_start3A_49] : memref<320x512xi32, #tpu.memory_space<hbm>> -> memref<10x512xi32, #tpu.memory_space<hbm>>
      tpu.enqueue_dma source(%dma_start3A_50 : memref<10x512xi32, #tpu.memory_space<hbm>>) target(%arg7 : memref<10x512xi32, #tpu.memory_space<vmem>>) target_semaphore(%run_scoped3A : memref<!tpu.dma_semaphore, #tpu.memory_space<semaphore_mem>>)
      %dma_wait3A_51 = arith.constant 0 : i32
      %dma_wait3A_52 = tpu.memref_slice %arg4[%mul3A_10, %dma_wait3A_51] : memref<320x512xi32, #tpu.memory_space<hbm>> -> memref<10x512xi32, #tpu.memory_space<hbm>>
      %dma_wait3A_53 = arith.constant 0 : i32
      %dma_wait3A_54 = tpu.memref_slice %arg4[%mul3A_10, %dma_wait3A_53] : memref<320x512xi32, #tpu.memory_space<hbm>> -> memref<10x512xi32, #tpu.memory_space<hbm>>
      tpu.wait_dma2 semaphore(%run_scoped3A : memref<!tpu.dma_semaphore, #tpu.memory_space<semaphore_mem>>) src(%dma_wait3A_54 : memref<10x512xi32, #tpu.memory_space<hbm>>) dst(%arg7 : memref<10x512xi32, #tpu.memory_space<vmem>>)
      tpu.yield
    }) : () -> ()
    %barrier3A = arith.constant 0 : index
    tpu.barrier barrier_id(%barrier3A)
    %dma_start3A = arith.constant 0 : i32
    %dma_start3A_11 = arith.constant 0 : i32
    %dma_start3A_12 = tpu.memref_slice %arg6[%dma_start3A, %dma_start3A_11] : memref<10x512xi32, #tpu.memory_space<vmem>> -> memref<1x512xi32, #tpu.memory_space<vmem>>
    %dma_start3A_13 = tpu.memref_squeeze %dma_start3A_12 : memref<1x512xi32, #tpu.memory_space<vmem>> -> memref<512xi32, #tpu.memory_space<vmem>>
    %dma_start3A_14 = arith.constant 0 : i32
    %dma_start3A_15 = arith.constant 0 : i32
    %dma_start3A_16 = tpu.memref_slice %arg2[%dma_start3A_14, %dma_start3A_15] : memref<10000x32xf32, #tpu.memory_space<hbm>> -> memref<10000x32xf32, #tpu.memory_space<hbm>>
    tpu.enqueue_indirect_dma source(%dma_start3A_16 : memref<10000x32xf32, #tpu.memory_space<hbm>>) target(%arg8 : memref<512x32xf32, #tpu.memory_space<vmem>>) offsets(%dma_start3A_13 : memref<512xi32, #tpu.memory_space<vmem>>) semaphore(%arg11 : memref<!tpu.dma_semaphore, #tpu.memory_space<semaphore_mem>>)
    %dma_start3A_17 = arith.constant 1 : i32
    %dma_start3A_18 = arith.constant 0 : i32
    %dma_start3A_19 = tpu.memref_slice %arg6[%dma_start3A_17, %dma_start3A_18] : memref<10x512xi32, #tpu.memory_space<vmem>> -> memref<1x512xi32, #tpu.memory_space<vmem>>
    %dma_start3A_20 = tpu.memref_squeeze %dma_start3A_19 : memref<1x512xi32, #tpu.memory_space<vmem>> -> memref<512xi32, #tpu.memory_space<vmem>>
    %dma_start3A_21 = arith.constant 0 : i32
    %dma_start3A_22 = arith.constant 0 : i32
    %dma_start3A_23 = tpu.memref_slice %arg2[%dma_start3A_21, %dma_start3A_22] : memref<10000x32xf32, #tpu.memory_space<hbm>> -> memref<10000x32xf32, #tpu.memory_space<hbm>>
    tpu.enqueue_indirect_dma source(%dma_start3A_23 : memref<10000x32xf32, #tpu.memory_space<hbm>>) target(%arg9 : memref<512x32xf32, #tpu.memory_space<vmem>>) offsets(%dma_start3A_20 : memref<512xi32, #tpu.memory_space<vmem>>) semaphore(%arg12 : memref<!tpu.dma_semaphore, #tpu.memory_space<semaphore_mem>>)
    %scan3A_24 = arith.constant 0 : i32
    %scan3A_25 = arith.constant 5 : i32
    %scan3A_26 = arith.addi %scan3A_24, %scan3A_25 : i32
    %scan3A_27 = arith.constant 1 : i32
    scf.for %scan3A_47 = %scan3A_24 to %scan3A_26 step %scan3A_27  : i32 {
      %mul3A_48 = arith.constant 1 : i32
      %mul3A_49 = arith.muli %scan3A_47, %mul3A_48 : i32
      %add3A_50 = arith.constant 0 : i32
      %add3A_51 = arith.addi %add3A_50, %mul3A_49 : i32
      %mul3A_52 = arith.constant 2 : i32
      %mul3A_53 = arith.muli %add3A_51, %mul3A_52 : i32
      %add3A_54 = arith.constant 0 : i32
      %add3A_55 = arith.addi %mul3A_53, %add3A_54 : i32
      %dma_wait3A_56 = arith.constant 0 : i32
      %dma_wait3A_57 = arith.constant 0 : i32
      %dma_wait3A_58 = tpu.memref_slice %arg6[%dma_wait3A_56, %dma_wait3A_57] : memref<10x512xi32, #tpu.memory_space<vmem>> -> memref<1x512xi32, #tpu.memory_space<vmem>>
      %dma_wait3A_59 = tpu.memref_squeeze %dma_wait3A_58 : memref<1x512xi32, #tpu.memory_space<vmem>> -> memref<512xi32, #tpu.memory_space<vmem>>
      %dma_wait3A_60 = arith.constant 0 : i32
      %dma_wait3A_61 = arith.constant 0 : i32
      %dma_wait3A_62 = tpu.memref_slice %arg2[%dma_wait3A_60, %dma_wait3A_61] : memref<10000x32xf32, #tpu.memory_space<hbm>> -> memref<10000x32xf32, #tpu.memory_space<hbm>>
      tpu.wait_indirect_dma semaphore(%arg11 : memref<!tpu.dma_semaphore, #tpu.memory_space<semaphore_mem>>) src(%dma_wait3A_62 : memref<10000x32xf32, #tpu.memory_space<hbm>>) dst(%arg8 : memref<512x32xf32, #tpu.memory_space<vmem>>)
      %dma_start3A_63 = arith.constant 0 : i32
      %dma_start3A_64 = tpu.memref_slice %arg7[%add3A_55, %dma_start3A_63] : memref<10x512xi32, #tpu.memory_space<vmem>> -> memref<1x512xi32, #tpu.memory_space<vmem>>
      %dma_start3A_65 = tpu.memref_squeeze %dma_start3A_64 : memref<1x512xi32, #tpu.memory_space<vmem>> -> memref<512xi32, #tpu.memory_space<vmem>>
      %dma_start3A_66 = arith.constant 0 : i32
      %dma_start3A_67 = arith.constant 0 : i32
      %dma_start3A_68 = tpu.memref_slice %arg15[%dma_start3A_66, %dma_start3A_67] : memref<10240x32xf32, #tpu.memory_space<vmem_shared>> -> memref<10240x32xf32, #tpu.memory_space<vmem_shared>>
      tpu.enqueue_indirect_dma source(%arg8 : memref<512x32xf32, #tpu.memory_space<vmem>>) target(%dma_start3A_68 : memref<10240x32xf32, #tpu.memory_space<vmem_shared>>) offsets(%dma_start3A_65 : memref<512xi32, #tpu.memory_space<vmem>>) semaphore(%arg13 : memref<!tpu.dma_semaphore, #tpu.memory_space<semaphore_mem>>) {add = true}
      %add3A_69 = arith.constant 2 : i32
      %add3A_70 = arith.addi %add3A_55, %add3A_69 : i32
      %lt3A = arith.constant 10 : i32
      %lt3A_71 = arith.cmpi slt, %add3A_70, %lt3A : i32
      %convert_element_type3A = arith.extui %lt3A_71 : i1 to i32
      %cond3A = arith.constant 0 : i32
      %cond3A_72 = arith.cmpi ne, %convert_element_type3A, %cond3A : i32
      scf.if %cond3A_72 {
        %dma_wait3A_97 = arith.constant 0 : i32
        %dma_wait3A_98 = arith.constant 0 : i32
        %dma_wait3A_99 = tpu.memref_slice %arg7[%dma_wait3A_97, %dma_wait3A_98] : memref<10x512xi32, #tpu.memory_space<vmem>> -> memref<1x512xi32, #tpu.memory_space<vmem>>
        %dma_wait3A_100 = tpu.memref_squeeze %dma_wait3A_99 : memref<1x512xi32, #tpu.memory_space<vmem>> -> memref<512xi32, #tpu.memory_space<vmem>>
        %dma_wait3A_101 = arith.constant 0 : i32
        %dma_wait3A_102 = arith.constant 0 : i32
        %dma_wait3A_103 = tpu.memref_slice %arg15[%dma_wait3A_101, %dma_wait3A_102] : memref<10240x32xf32, #tpu.memory_space<vmem_shared>> -> memref<10240x32xf32, #tpu.memory_space<vmem_shared>>
        tpu.wait_indirect_dma semaphore(%arg13 : memref<!tpu.dma_semaphore, #tpu.memory_space<semaphore_mem>>) src(%arg8 : memref<512x32xf32, #tpu.memory_space<vmem>>) dst(%dma_wait3A_103 : memref<10240x32xf32, #tpu.memory_space<vmem_shared>>)
        %dma_start3A_104 = arith.constant 0 : i32
        %dma_start3A_105 = tpu.memref_slice %arg6[%add3A_70, %dma_start3A_104] : memref<10x512xi32, #tpu.memory_space<vmem>> -> memref<1x512xi32, #tpu.memory_space<vmem>>
        %dma_start3A_106 = tpu.memref_squeeze %dma_start3A_105 : memref<1x512xi32, #tpu.memory_space<vmem>> -> memref<512xi32, #tpu.memory_space<vmem>>
        %dma_start3A_107 = arith.constant 0 : i32
        %dma_start3A_108 = arith.constant 0 : i32
        %dma_start3A_109 = tpu.memref_slice %arg2[%dma_start3A_107, %dma_start3A_108] : memref<10000x32xf32, #tpu.memory_space<hbm>> -> memref<10000x32xf32, #tpu.memory_space<hbm>>
        tpu.enqueue_indirect_dma source(%dma_start3A_109 : memref<10000x32xf32, #tpu.memory_space<hbm>>) target(%arg8 : memref<512x32xf32, #tpu.memory_space<vmem>>) offsets(%dma_start3A_106 : memref<512xi32, #tpu.memory_space<vmem>>) semaphore(%arg11 : memref<!tpu.dma_semaphore, #tpu.memory_space<semaphore_mem>>)
      } else {
      }
      %mul3A_73 = arith.constant 2 : i32
      %mul3A_74 = arith.muli %add3A_51, %mul3A_73 : i32
      %add3A_75 = arith.constant 1 : i32
      %add3A_76 = arith.addi %mul3A_74, %add3A_75 : i32
      %dma_wait3A_77 = arith.constant 0 : i32
      %dma_wait3A_78 = arith.constant 0 : i32
      %dma_wait3A_79 = tpu.memref_slice %arg6[%dma_wait3A_77, %dma_wait3A_78] : memref<10x512xi32, #tpu.memory_space<vmem>> -> memref<1x512xi32, #tpu.memory_space<vmem>>
      %dma_wait3A_80 = tpu.memref_squeeze %dma_wait3A_79 : memref<1x512xi32, #tpu.memory_space<vmem>> -> memref<512xi32, #tpu.memory_space<vmem>>
      %dma_wait3A_81 = arith.constant 0 : i32
      %dma_wait3A_82 = arith.constant 0 : i32
      %dma_wait3A_83 = tpu.memref_slice %arg2[%dma_wait3A_81, %dma_wait3A_82] : memref<10000x32xf32, #tpu.memory_space<hbm>> -> memref<10000x32xf32, #tpu.memory_space<hbm>>
      tpu.wait_indirect_dma semaphore(%arg12 : memref<!tpu.dma_semaphore, #tpu.memory_space<semaphore_mem>>) src(%dma_wait3A_83 : memref<10000x32xf32, #tpu.memory_space<hbm>>) dst(%arg9 : memref<512x32xf32, #tpu.memory_space<vmem>>)
      %dma_start3A_84 = arith.constant 0 : i32
      %dma_start3A_85 = tpu.memref_slice %arg7[%add3A_76, %dma_start3A_84] : memref<10x512xi32, #tpu.memory_space<vmem>> -> memref<1x512xi32, #tpu.memory_space<vmem>>
      %dma_start3A_86 = tpu.memref_squeeze %dma_start3A_85 : memref<1x512xi32, #tpu.memory_space<vmem>> -> memref<512xi32, #tpu.memory_space<vmem>>
      %dma_start3A_87 = arith.constant 0 : i32
      %dma_start3A_88 = arith.constant 0 : i32
      %dma_start3A_89 = tpu.memref_slice %arg15[%dma_start3A_87, %dma_start3A_88] : memref<10240x32xf32, #tpu.memory_space<vmem_shared>> -> memref<10240x32xf32, #tpu.memory_space<vmem_shared>>
      tpu.enqueue_indirect_dma source(%arg9 : memref<512x32xf32, #tpu.memory_space<vmem>>) target(%dma_start3A_89 : memref<10240x32xf32, #tpu.memory_space<vmem_shared>>) offsets(%dma_start3A_86 : memref<512xi32, #tpu.memory_space<vmem>>) semaphore(%arg14 : memref<!tpu.dma_semaphore, #tpu.memory_space<semaphore_mem>>) {add = true}
      %add3A_90 = arith.constant 2 : i32
      %add3A_91 = arith.addi %add3A_76, %add3A_90 : i32
      %lt3A_92 = arith.constant 10 : i32
      %lt3A_93 = arith.cmpi slt, %add3A_91, %lt3A_92 : i32
      %convert_element_type3A_94 = arith.extui %lt3A_93 : i1 to i32
      %cond3A_95 = arith.constant 0 : i32
      %cond3A_96 = arith.cmpi ne, %convert_element_type3A_94, %cond3A_95 : i32
      scf.if %cond3A_96 {
        %dma_wait3A_97 = arith.constant 0 : i32
        %dma_wait3A_98 = arith.constant 0 : i32
        %dma_wait3A_99 = tpu.memref_slice %arg7[%dma_wait3A_97, %dma_wait3A_98] : memref<10x512xi32, #tpu.memory_space<vmem>> -> memref<1x512xi32, #tpu.memory_space<vmem>>
        %dma_wait3A_100 = tpu.memref_squeeze %dma_wait3A_99 : memref<1x512xi32, #tpu.memory_space<vmem>> -> memref<512xi32, #tpu.memory_space<vmem>>
        %dma_wait3A_101 = arith.constant 0 : i32
        %dma_wait3A_102 = arith.constant 0 : i32
        %dma_wait3A_103 = tpu.memref_slice %arg15[%dma_wait3A_101, %dma_wait3A_102] : memref<10240x32xf32, #tpu.memory_space<vmem_shared>> -> memref<10240x32xf32, #tpu.memory_space<vmem_shared>>
        tpu.wait_indirect_dma semaphore(%arg14 : memref<!tpu.dma_semaphore, #tpu.memory_space<semaphore_mem>>) src(%arg9 : memref<512x32xf32, #tpu.memory_space<vmem>>) dst(%dma_wait3A_103 : memref<10240x32xf32, #tpu.memory_space<vmem_shared>>)
        %dma_start3A_104 = arith.constant 0 : i32
        %dma_start3A_105 = tpu.memref_slice %arg6[%add3A_91, %dma_start3A_104] : memref<10x512xi32, #tpu.memory_space<vmem>> -> memref<1x512xi32, #tpu.memory_space<vmem>>
        %dma_start3A_106 = tpu.memref_squeeze %dma_start3A_105 : memref<1x512xi32, #tpu.memory_space<vmem>> -> memref<512xi32, #tpu.memory_space<vmem>>
        %dma_start3A_107 = arith.constant 0 : i32
        %dma_start3A_108 = arith.constant 0 : i32
        %dma_start3A_109 = tpu.memref_slice %arg2[%dma_start3A_107, %dma_start3A_108] : memref<10000x32xf32, #tpu.memory_space<hbm>> -> memref<10000x32xf32, #tpu.memory_space<hbm>>
        tpu.enqueue_indirect_dma source(%dma_start3A_109 : memref<10000x32xf32, #tpu.memory_space<hbm>>) target(%arg9 : memref<512x32xf32, #tpu.memory_space<vmem>>) offsets(%dma_start3A_106 : memref<512xi32, #tpu.memory_space<vmem>>) semaphore(%arg12 : memref<!tpu.dma_semaphore, #tpu.memory_space<semaphore_mem>>)
      } else {
      }
    }
    %scan3A_28 = arith.constant 5 : i32
    %dma_wait3A = arith.constant 0 : i32
    %dma_wait3A_29 = arith.constant 0 : i32
    %dma_wait3A_30 = tpu.memref_slice %arg7[%dma_wait3A, %dma_wait3A_29] : memref<10x512xi32, #tpu.memory_space<vmem>> -> memref<1x512xi32, #tpu.memory_space<vmem>>
    %dma_wait3A_31 = tpu.memref_squeeze %dma_wait3A_30 : memref<1x512xi32, #tpu.memory_space<vmem>> -> memref<512xi32, #tpu.memory_space<vmem>>
    %dma_wait3A_32 = arith.constant 0 : i32
    %dma_wait3A_33 = arith.constant 0 : i32
    %dma_wait3A_34 = tpu.memref_slice %arg15[%dma_wait3A_32, %dma_wait3A_33] : memref<10240x32xf32, #tpu.memory_space<vmem_shared>> -> memref<10240x32xf32, #tpu.memory_space<vmem_shared>>
    tpu.wait_indirect_dma semaphore(%arg13 : memref<!tpu.dma_semaphore, #tpu.memory_space<semaphore_mem>>) src(%arg8 : memref<512x32xf32, #tpu.memory_space<vmem>>) dst(%dma_wait3A_34 : memref<10240x32xf32, #tpu.memory_space<vmem_shared>>)
    %dma_wait3A_35 = arith.constant 0 : i32
    %dma_wait3A_36 = arith.constant 0 : i32
    %dma_wait3A_37 = tpu.memref_slice %arg7[%dma_wait3A_35, %dma_wait3A_36] : memref<10x512xi32, #tpu.memory_space<vmem>> -> memref<1x512xi32, #tpu.memory_space<vmem>>
    %dma_wait3A_38 = tpu.memref_squeeze %dma_wait3A_37 : memref<1x512xi32, #tpu.memory_space<vmem>> -> memref<512xi32, #tpu.memory_space<vmem>>
    %dma_wait3A_39 = arith.constant 0 : i32
    %dma_wait3A_40 = arith.constant 0 : i32
    %dma_wait3A_41 = tpu.memref_slice %arg15[%dma_wait3A_39, %dma_wait3A_40] : memref<10240x32xf32, #tpu.memory_space<vmem_shared>> -> memref<10240x32xf32, #tpu.memory_space<vmem_shared>>
    tpu.wait_indirect_dma semaphore(%arg14 : memref<!tpu.dma_semaphore, #tpu.memory_space<semaphore_mem>>) src(%arg9 : memref<512x32xf32, #tpu.memory_space<vmem>>) dst(%dma_wait3A_41 : memref<10240x32xf32, #tpu.memory_space<vmem_shared>>)
    %barrier3A_42 = arith.constant 0 : index
    tpu.barrier barrier_id(%barrier3A_42)
    %mul3A_43 = arith.constant 640 : i32
    %mul3A_44 = arith.muli %arg1, %mul3A_43 : i32
    "tpu.region"() ({
      %run_scoped3A = tpu.sem_alloc : memref<!tpu.dma_semaphore, #tpu.memory_space<semaphore_mem>>
      %dma_start3A_47 = arith.constant 0 : i32
      %dma_start3A_48 = tpu.memref_slice %arg15[%mul3A_44, %dma_start3A_47] : memref<10240x32xf32, #tpu.memory_space<vmem_shared>> -> memref<640x32xf32, #tpu.memory_space<vmem_shared>>
      %dma_start3A_49 = arith.constant 0 : i32
      %dma_start3A_50 = tpu.memref_slice %arg15[%mul3A_44, %dma_start3A_49] : memref<10240x32xf32, #tpu.memory_space<vmem_shared>> -> memref<640x32xf32, #tpu.memory_space<vmem_shared>>
      tpu.enqueue_dma source(%dma_start3A_50 : memref<640x32xf32, #tpu.memory_space<vmem_shared>>) target(%arg10 : memref<640x32xf32, #tpu.memory_space<vmem>>) target_semaphore(%run_scoped3A : memref<!tpu.dma_semaphore, #tpu.memory_space<semaphore_mem>>)
      %dma_wait3A_51 = arith.constant 0 : i32
      %dma_wait3A_52 = tpu.memref_slice %arg15[%mul3A_44, %dma_wait3A_51] : memref<10240x32xf32, #tpu.memory_space<vmem_shared>> -> memref<640x32xf32, #tpu.memory_space<vmem_shared>>
      %dma_wait3A_53 = arith.constant 0 : i32
      %dma_wait3A_54 = tpu.memref_slice %arg15[%mul3A_44, %dma_wait3A_53] : memref<10240x32xf32, #tpu.memory_space<vmem_shared>> -> memref<640x32xf32, #tpu.memory_space<vmem_shared>>
      tpu.wait_dma2 semaphore(%run_scoped3A : memref<!tpu.dma_semaphore, #tpu.memory_space<semaphore_mem>>) src(%dma_wait3A_54 : memref<640x32xf32, #tpu.memory_space<vmem_shared>>) dst(%arg10 : memref<640x32xf32, #tpu.memory_space<vmem>>)
      tpu.yield
    }) : () -> ()
    %mul3A_45 = arith.constant 640 : i32
    %mul3A_46 = arith.muli %arg1, %mul3A_45 : i32
    "tpu.region"() ({
      %run_scoped3A = tpu.sem_alloc : memref<!tpu.dma_semaphore, #tpu.memory_space<semaphore_mem>>
      %dma_start3A_47 = arith.constant 0 : i32
      %dma_start3A_48 = tpu.memref_slice %arg5[%arg0, %mul3A_46, %dma_start3A_47] : memref<2x10240x32xf32, #tpu.memory_space<hbm>> -> memref<1x640x32xf32, #tpu.memory_space<hbm>>
      %dma_start3A_49 = tpu.memref_squeeze %dma_start3A_48 : memref<1x640x32xf32, #tpu.memory_space<hbm>> -> memref<640x32xf32, #tpu.memory_space<hbm>>
      %dma_start3A_50 = arith.constant 0 : i32
      %dma_start3A_51 = tpu.memref_slice %arg5[%arg0, %mul3A_46, %dma_start3A_50] : memref<2x10240x32xf32, #tpu.memory_space<hbm>> -> memref<1x640x32xf32, #tpu.memory_space<hbm>>
      %dma_start3A_52 = tpu.memref_squeeze %dma_start3A_51 : memref<1x640x32xf32, #tpu.memory_space<hbm>> -> memref<640x32xf32, #tpu.memory_space<hbm>>
      tpu.enqueue_dma source(%arg10 : memref<640x32xf32, #tpu.memory_space<vmem>>) target(%dma_start3A_52 : memref<640x32xf32, #tpu.memory_space<hbm>>) target_semaphore(%run_scoped3A : memref<!tpu.dma_semaphore, #tpu.memory_space<semaphore_mem>>)
      %dma_wait3A_53 = arith.constant 0 : i32
      %dma_wait3A_54 = tpu.memref_slice %arg5[%arg0, %mul3A_46, %dma_wait3A_53] : memref<2x10240x32xf32, #tpu.memory_space<hbm>> -> memref<1x640x32xf32, #tpu.memory_space<hbm>>
      %dma_wait3A_55 = tpu.memref_squeeze %dma_wait3A_54 : memref<1x640x32xf32, #tpu.memory_space<hbm>> -> memref<640x32xf32, #tpu.memory_space<hbm>>
      %dma_wait3A_56 = arith.constant 0 : i32
      %dma_wait3A_57 = tpu.memref_slice %arg5[%arg0, %mul3A_46, %dma_wait3A_56] : memref<2x10240x32xf32, #tpu.memory_space<hbm>> -> memref<1x640x32xf32, #tpu.memory_space<hbm>>
      %dma_wait3A_58 = tpu.memref_squeeze %dma_wait3A_57 : memref<1x640x32xf32, #tpu.memory_space<hbm>> -> memref<640x32xf32, #tpu.memory_space<hbm>>
      tpu.wait_dma2 semaphore(%run_scoped3A : memref<!tpu.dma_semaphore, #tpu.memory_space<semaphore_mem>>) src(%arg10 : memref<640x32xf32, #tpu.memory_space<vmem>>) dst(%dma_wait3A_58 : memref<640x32xf32, #tpu.memory_space<hbm>>)
      tpu.yield
    }) : () -> ()
    return
  }
}

module attributes {stable_mosaic.version = 14 : i64} {
  func.func @_mm_scale_body(%arg0: i32, %arg1: memref<2000x256xf32, #tpu.memory_space<vmem>>, %arg2: memref<256x32xf32, #tpu.memory_space<vmem>>, %arg3: memref<2x2000x16xf32, #tpu.memory_space<vmem>>, %arg4: memref<2000x16xf32, #tpu.memory_space<vmem>>, %arg5: memref<2000x32xf32, #tpu.memory_space<vmem>>) attributes {dimension_semantics = [#tpu.dimension_semantics<arbitrary>], iteration_bounds = array<i64: 5>, scalar_prefetch = 0 : i64, scratch_operands = 0 : i64, tpu.core_type = #tpu.core_type<tc>, window_params = [{transform_indices = @transform_0, window_bounds = array<i64: 2000, 256>}, {pipeline_mode = #tpu.pipeline_mode<synchronous>, transform_indices = @transform_1, window_bounds = array<i64: 256, 32>}, {transform_indices = @transform_2, window_bounds = array<i64: 2, 2000, 16>}, {transform_indices = @transform_3, window_bounds = array<i64: 2000, 16>}, {transform_indices = @transform_4, window_bounds = array<i64: 2000, 32>}]} {
    %get3A = arith.constant 0 : index
    %get3A_0 = arith.constant 0 : index
    %get3A_1 = vector.load %arg1[%get3A, %get3A_0] : memref<2000x256xf32, #tpu.memory_space<vmem>>, vector<2000x256xf32>
    %get3A_2 = arith.constant 0 : index
    %get3A_3 = arith.constant 0 : index
    %get3A_4 = vector.load %arg2[%get3A_2, %get3A_3] : memref<256x32xf32, #tpu.memory_space<vmem>>, vector<256x32xf32>
    %dot_general3A = arith.constant dense<0.000000e+00> : vector<2000x32xf32>
    %dot_general3A_5 = tpu.matmul %get3A_1, %get3A_4, %dot_general3A {dimension_numbers = #tpu.dot_dimension_numbers<[1], [0], [0], [1], [0, 0, 1, 1], [], []>, transpose_lhs_hint = false} : vector<2000x256xf32>, vector<256x32xf32>, vector<2000x32xf32> -> vector<2000x32xf32>
    %get3A_6 = arith.constant 0 : index
    %get3A_7 = arith.constant 0 : index
    %get3A_8 = arith.constant 0 : index
    %get3A_9 = vector.load %arg3[%get3A_6, %get3A_7, %get3A_8] : memref<2x2000x16xf32, #tpu.memory_space<vmem>>, vector<1x2000x16xf32>
    %get3A_10 = vector.shape_cast %get3A_9 : vector<1x2000x16xf32> to vector<2000x16xf32>
    %get3A_11 = arith.constant 1 : index
    %get3A_12 = arith.constant 0 : index
    %get3A_13 = arith.constant 0 : index
    %get3A_14 = vector.load %arg3[%get3A_11, %get3A_12, %get3A_13] : memref<2x2000x16xf32, #tpu.memory_space<vmem>>, vector<1x2000x16xf32>
    %get3A_15 = vector.shape_cast %get3A_14 : vector<1x2000x16xf32> to vector<2000x16xf32>
    %add3A = arith.addf %get3A_10, %get3A_15 : vector<2000x16xf32>
    %add3A_16 = arith.constant 1.000000e+00 : f32
    %add3A_17 = vector.broadcast %add3A_16 : f32 to vector<2000x16xf32>
    %add3A_18 = arith.addf %add3A, %add3A_17 : vector<2000x16xf32>
    %rsqrt3A = math.rsqrt %add3A_18 : vector<2000x16xf32>
    %swap3A = arith.constant 0 : index
    %swap3A_19 = arith.constant 0 : index
    %swap3A_20 = vector.load %arg4[%swap3A, %swap3A_19] : memref<2000x16xf32, #tpu.memory_space<vmem>>, vector<2000x16xf32>
    tpu.vector_store %arg4[%swap3A, %swap3A_19], %rsqrt3A {strides = array<i32>} : memref<2000x16xf32, #tpu.memory_space<vmem>>, vector<2000x16xf32>,
    %slice3A = vector.extract_strided_slice %rsqrt3A {offsets = [0, 0], sizes = [2000, 1], strides = [1, 1]} : vector<2000x16xf32> to vector<2000x1xf32>
    %mul3A = vector.broadcast %slice3A : vector<2000x1xf32> to vector<2000x32xf32>
    %mul3A_21 = arith.mulf %dot_general3A_5, %mul3A : vector<2000x32xf32>
    %swap3A_22 = arith.constant 0 : index
    %swap3A_23 = arith.constant 0 : index
    %swap3A_24 = vector.load %arg5[%swap3A_22, %swap3A_23] : memref<2000x32xf32, #tpu.memory_space<vmem>>, vector<2000x32xf32>
    tpu.vector_store %arg5[%swap3A_22, %swap3A_23], %mul3A_21 {strides = array<i32>} : memref<2000x32xf32, #tpu.memory_space<vmem>>, vector<2000x32xf32>,
    return
  }
  func.func @transform_0(%arg0: i32) -> (i32, i32) {
    %c0_i32 = arith.constant 0 : i32
    %c0_i32_0 = arith.constant 0 : i32
    return %arg0, %c0_i32 : i32, i32
  }
  func.func @transform_1(%arg0: i32) -> (i32, i32) {
    %c0_i32 = arith.constant 0 : i32
    %c0_i32_0 = arith.constant 0 : i32
    %c0_i32_1 = arith.constant 0 : i32
    return %c0_i32, %c0_i32_0 : i32, i32
  }
  func.func @transform_2(%arg0: i32) -> (i32, i32, i32) {
    %c0_i32 = arith.constant 0 : i32
    %c0_i32_0 = arith.constant 0 : i32
    %c0_i32_1 = arith.constant 0 : i32
    return %c0_i32, %arg0, %c0_i32_0 : i32, i32, i32
  }
  func.func @transform_3(%arg0: i32) -> (i32, i32) {
    %c0_i32 = arith.constant 0 : i32
    %c0_i32_0 = arith.constant 0 : i32
    return %arg0, %c0_i32 : i32, i32
  }
  func.func @transform_4(%arg0: i32) -> (i32, i32) {
    %c0_i32 = arith.constant 0 : i32
    %c0_i32_0 = arith.constant 0 : i32
    return %arg0, %c0_i32 : i32, i32
  }
}

module attributes {stable_mosaic.version = 14 : i64} {
  func.func @_layer1_body(%arg0: i32, %arg1: memref<1x2000x32xf32, #tpu.memory_space<vmem>>, %arg2: memref<1x2000x32xf32, #tpu.memory_space<vmem>>, %arg3: memref<2000x32xf32, #tpu.memory_space<vmem>>, %arg4: memref<2000x16xf32, #tpu.memory_space<vmem>>, %arg5: memref<1x32xf32, #tpu.memory_space<vmem>>, %arg6: memref<2000x32xf32, #tpu.memory_space<vmem>>) attributes {dimension_semantics = [#tpu.dimension_semantics<arbitrary>], iteration_bounds = array<i64: 5>, scalar_prefetch = 0 : i64, scratch_operands = 0 : i64, tpu.core_type = #tpu.core_type<tc>, window_params = [{transform_indices = @transform_0, window_bounds = array<i64: 1, 2000, 32>}, {transform_indices = @transform_1, window_bounds = array<i64: 1, 2000, 32>}, {transform_indices = @transform_2, window_bounds = array<i64: 2000, 32>}, {transform_indices = @transform_3, window_bounds = array<i64: 2000, 16>}, {pipeline_mode = #tpu.pipeline_mode<synchronous>, transform_indices = @transform_4, window_bounds = array<i64: 1, 32>}, {transform_indices = @transform_5, window_bounds = array<i64: 2000, 32>}]} {
    %get3A = arith.constant 0 : index
    %get3A_0 = arith.constant 0 : index
    %get3A_1 = vector.load %arg4[%get3A, %get3A_0] : memref<2000x16xf32, #tpu.memory_space<vmem>>, vector<2000x1xf32>
    %get3A_2 = arith.constant 0 : index
    %get3A_3 = arith.constant 0 : index
    %get3A_4 = arith.constant 0 : index
    %get3A_5 = vector.load %arg1[%get3A_2, %get3A_3, %get3A_4] : memref<1x2000x32xf32, #tpu.memory_space<vmem>>, vector<1x2000x32xf32>
    %get3A_6 = vector.shape_cast %get3A_5 : vector<1x2000x32xf32> to vector<2000x32xf32>
    %get3A_7 = arith.constant 0 : index
    %get3A_8 = arith.constant 0 : index
    %get3A_9 = arith.constant 0 : index
    %get3A_10 = vector.load %arg2[%get3A_7, %get3A_8, %get3A_9] : memref<1x2000x32xf32, #tpu.memory_space<vmem>>, vector<1x2000x32xf32>
    %get3A_11 = vector.shape_cast %get3A_10 : vector<1x2000x32xf32> to vector<2000x32xf32>
    %add3A = arith.addf %get3A_6, %get3A_11 : vector<2000x32xf32>
    %get3A_12 = arith.constant 0 : index
    %get3A_13 = arith.constant 0 : index
    %get3A_14 = vector.load %arg3[%get3A_12, %get3A_13] : memref<2000x32xf32, #tpu.memory_space<vmem>>, vector<2000x32xf32>
    %add3A_15 = arith.addf %add3A, %get3A_14 : vector<2000x32xf32>
    %mul3A = vector.broadcast %get3A_1 : vector<2000x1xf32> to vector<2000x32xf32>
    %mul3A_16 = arith.mulf %mul3A, %add3A_15 : vector<2000x32xf32>
    %get3A_17 = arith.constant 0 : index
    %get3A_18 = arith.constant 0 : index
    %get3A_19 = vector.load %arg5[%get3A_17, %get3A_18] : memref<1x32xf32, #tpu.memory_space<vmem>>, vector<1x32xf32>
    %add3A_20 = vector.broadcast %get3A_19 : vector<1x32xf32> to vector<2000x32xf32>
    %add3A_21 = arith.addf %mul3A_16, %add3A_20 : vector<2000x32xf32>
    %max3A = arith.constant 0.000000e+00 : f32
    %max3A_22 = vector.broadcast %max3A : f32 to vector<2000x32xf32>
    %max3A_23 = arith.maximumf %add3A_21, %max3A_22 : vector<2000x32xf32>
    %mul3A_24 = vector.broadcast %get3A_1 : vector<2000x1xf32> to vector<2000x32xf32>
    %mul3A_25 = arith.mulf %mul3A_24, %max3A_23 : vector<2000x32xf32>
    %swap3A = arith.constant 0 : index
    %swap3A_26 = arith.constant 0 : index
    %swap3A_27 = vector.load %arg6[%swap3A, %swap3A_26] : memref<2000x32xf32, #tpu.memory_space<vmem>>, vector<2000x32xf32>
    tpu.vector_store %arg6[%swap3A, %swap3A_26], %mul3A_25 {strides = array<i32>} : memref<2000x32xf32, #tpu.memory_space<vmem>>, vector<2000x32xf32>,
    return
  }
  func.func @transform_0(%arg0: i32) -> (i32, i32, i32) {
    %c0_i32 = arith.constant 0 : i32
    %c0_i32_0 = arith.constant 0 : i32
    %c0_i32_1 = arith.constant 0 : i32
    return %c0_i32, %arg0, %c0_i32_0 : i32, i32, i32
  }
  func.func @transform_1(%arg0: i32) -> (i32, i32, i32) {
    %c1_i32 = arith.constant 1 : i32
    %c0_i32 = arith.constant 0 : i32
    %c0_i32_0 = arith.constant 0 : i32
    return %c1_i32, %arg0, %c0_i32 : i32, i32, i32
  }
  func.func @transform_2(%arg0: i32) -> (i32, i32) {
    %c0_i32 = arith.constant 0 : i32
    %c0_i32_0 = arith.constant 0 : i32
    return %arg0, %c0_i32 : i32, i32
  }
  func.func @transform_3(%arg0: i32) -> (i32, i32) {
    %c0_i32 = arith.constant 0 : i32
    %c0_i32_0 = arith.constant 0 : i32
    return %arg0, %c0_i32 : i32, i32
  }
  func.func @transform_4(%arg0: i32) -> (i32, i32) {
    %c0_i32 = arith.constant 0 : i32
    %c0_i32_0 = arith.constant 0 : i32
    %c0_i32_1 = arith.constant 0 : i32
    return %c0_i32, %c0_i32_0 : i32, i32
  }
  func.func @transform_5(%arg0: i32) -> (i32, i32) {
    %c0_i32 = arith.constant 0 : i32
    %c0_i32_0 = arith.constant 0 : i32
    return %arg0, %c0_i32 : i32, i32
  }
}

module attributes {stable_mosaic.version = 14 : i64} {
  func.func @_latent_body(%arg0: i32, %arg1: memref<1x2000x32xf32, #tpu.memory_space<vmem>>, %arg2: memref<1x2000x32xf32, #tpu.memory_space<vmem>>, %arg3: memref<2000x32xf32, #tpu.memory_space<vmem>>, %arg4: memref<2000x16xf32, #tpu.memory_space<vmem>>, %arg5: memref<32x16xf32, #tpu.memory_space<vmem>>, %arg6: memref<1x16xf32, #tpu.memory_space<vmem>>, %arg7: memref<32x16xf32, #tpu.memory_space<vmem>>, %arg8: memref<1x16xf32, #tpu.memory_space<vmem>>, %arg9: memref<2000x16xf32, #tpu.memory_space<vmem>>, %arg10: memref<2000x16xf32, #tpu.memory_space<vmem>>, %arg11: memref<2000x16xf32, #tpu.memory_space<vmem>>, %arg12: memref<2000x16xf32, #tpu.memory_space<vmem>>) attributes {dimension_semantics = [#tpu.dimension_semantics<arbitrary>], iteration_bounds = array<i64: 5>, scalar_prefetch = 0 : i64, scratch_operands = 0 : i64, tpu.core_type = #tpu.core_type<tc>, window_params = [{transform_indices = @transform_0, window_bounds = array<i64: 1, 2000, 32>}, {transform_indices = @transform_1, window_bounds = array<i64: 1, 2000, 32>}, {transform_indices = @transform_2, window_bounds = array<i64: 2000, 32>}, {transform_indices = @transform_3, window_bounds = array<i64: 2000, 16>}, {pipeline_mode = #tpu.pipeline_mode<synchronous>, transform_indices = @transform_4, window_bounds = array<i64: 32, 16>}, {pipeline_mode = #tpu.pipeline_mode<synchronous>, transform_indices = @transform_5, window_bounds = array<i64: 1, 16>}, {pipeline_mode = #tpu.pipeline_mode<synchronous>, transform_indices = @transform_6, window_bounds = array<i64: 32, 16>}, {pipeline_mode = #tpu.pipeline_mode<synchronous>, transform_indices = @transform_7, window_bounds = array<i64: 1, 16>}, {transform_indices = @transform_8, window_bounds = array<i64: 2000, 16>}, {transform_indices = @transform_9, window_bounds = array<i64: 2000, 16>}, {transform_indices = @transform_10, window_bounds = array<i64: 2000, 16>}, {transform_indices = @transform_11, window_bounds = array<i64: 2000, 16>}]} {
    %get3A = arith.constant 0 : index
    %get3A_0 = arith.constant 0 : index
    %get3A_1 = vector.load %arg4[%get3A, %get3A_0] : memref<2000x16xf32, #tpu.memory_space<vmem>>, vector<2000x1xf32>
    %get3A_2 = arith.constant 0 : index
    %get3A_3 = arith.constant 0 : index
    %get3A_4 = arith.constant 0 : index
    %get3A_5 = vector.load %arg1[%get3A_2, %get3A_3, %get3A_4] : memref<1x2000x32xf32, #tpu.memory_space<vmem>>, vector<1x2000x32xf32>
    %get3A_6 = vector.shape_cast %get3A_5 : vector<1x2000x32xf32> to vector<2000x32xf32>
    %get3A_7 = arith.constant 0 : index
    %get3A_8 = arith.constant 0 : index
    %get3A_9 = arith.constant 0 : index
    %get3A_10 = vector.load %arg2[%get3A_7, %get3A_8, %get3A_9] : memref<1x2000x32xf32, #tpu.memory_space<vmem>>, vector<1x2000x32xf32>
    %get3A_11 = vector.shape_cast %get3A_10 : vector<1x2000x32xf32> to vector<2000x32xf32>
    %add3A = arith.addf %get3A_6, %get3A_11 : vector<2000x32xf32>
    %get3A_12 = arith.constant 0 : index
    %get3A_13 = arith.constant 0 : index
    %get3A_14 = vector.load %arg3[%get3A_12, %get3A_13] : memref<2000x32xf32, #tpu.memory_space<vmem>>, vector<2000x32xf32>
    %add3A_15 = arith.addf %add3A, %get3A_14 : vector<2000x32xf32>
    %mul3A = vector.broadcast %get3A_1 : vector<2000x1xf32> to vector<2000x32xf32>
    %mul3A_16 = arith.mulf %mul3A, %add3A_15 : vector<2000x32xf32>
    %get3A_17 = arith.constant 0 : index
    %get3A_18 = arith.constant 0 : index
    %get3A_19 = vector.load %arg5[%get3A_17, %get3A_18] : memref<32x16xf32, #tpu.memory_space<vmem>>, vector<32x16xf32>
    %dot_general3A = arith.constant dense<0.000000e+00> : vector<2000x16xf32>
    %dot_general3A_20 = tpu.matmul %mul3A_16, %get3A_19, %dot_general3A {dimension_numbers = #tpu.dot_dimension_numbers<[1], [0], [0], [1], [0, 0, 1, 1], [], []>, transpose_lhs_hint = false} : vector<2000x32xf32>, vector<32x16xf32>, vector<2000x16xf32> -> vector<2000x16xf32>
    %get3A_21 = arith.constant 0 : index
    %get3A_22 = arith.constant 0 : index
    %get3A_23 = vector.load %arg6[%get3A_21, %get3A_22] : memref<1x16xf32, #tpu.memory_space<vmem>>, vector<1x16xf32>
    %add3A_24 = vector.broadcast %get3A_23 : vector<1x16xf32> to vector<2000x16xf32>
    %add3A_25 = arith.addf %dot_general3A_20, %add3A_24 : vector<2000x16xf32>
    %get3A_26 = arith.constant 0 : index
    %get3A_27 = arith.constant 0 : index
    %get3A_28 = vector.load %arg7[%get3A_26, %get3A_27] : memref<32x16xf32, #tpu.memory_space<vmem>>, vector<32x16xf32>
    %dot_general3A_29 = arith.constant dense<0.000000e+00> : vector<2000x16xf32>
    %dot_general3A_30 = tpu.matmul %mul3A_16, %get3A_28, %dot_general3A_29 {dimension_numbers = #tpu.dot_dimension_numbers<[1], [0], [0], [1], [0, 0, 1, 1], [], []>, transpose_lhs_hint = false} : vector<2000x32xf32>, vector<32x16xf32>, vector<2000x16xf32> -> vector<2000x16xf32>
    %get3A_31 = arith.constant 0 : index
    %get3A_32 = arith.constant 0 : index
    %get3A_33 = vector.load %arg8[%get3A_31, %get3A_32] : memref<1x16xf32, #tpu.memory_space<vmem>>, vector<1x16xf32>
    %add3A_34 = vector.broadcast %get3A_33 : vector<1x16xf32> to vector<2000x16xf32>
    %add3A_35 = arith.addf %dot_general3A_30, %add3A_34 : vector<2000x16xf32>
    %swap3A = arith.constant 0 : index
    %swap3A_36 = arith.constant 0 : index
    %swap3A_37 = vector.load %arg10[%swap3A, %swap3A_36] : memref<2000x16xf32, #tpu.memory_space<vmem>>, vector<2000x16xf32>
    tpu.vector_store %arg10[%swap3A, %swap3A_36], %add3A_25 {strides = array<i32>} : memref<2000x16xf32, #tpu.memory_space<vmem>>, vector<2000x16xf32>,
    %swap3A_38 = arith.constant 0 : index
    %swap3A_39 = arith.constant 0 : index
    %swap3A_40 = vector.load %arg11[%swap3A_38, %swap3A_39] : memref<2000x16xf32, #tpu.memory_space<vmem>>, vector<2000x16xf32>
    tpu.vector_store %arg11[%swap3A_38, %swap3A_39], %add3A_35 {strides = array<i32>} : memref<2000x16xf32, #tpu.memory_space<vmem>>, vector<2000x16xf32>,
    %exp3A = math.exp %add3A_35 : vector<2000x16xf32>
    %get3A_41 = arith.constant 0 : index
    %get3A_42 = arith.constant 0 : index
    %get3A_43 = vector.load %arg9[%get3A_41, %get3A_42] : memref<2000x16xf32, #tpu.memory_space<vmem>>, vector<2000x16xf32>
    %mul3A_44 = arith.mulf %exp3A, %get3A_43 : vector<2000x16xf32>
    %add3A_45 = arith.addf %add3A_25, %mul3A_44 : vector<2000x16xf32>
    %swap3A_46 = arith.constant 0 : index
    %swap3A_47 = arith.constant 0 : index
    %swap3A_48 = vector.load %arg12[%swap3A_46, %swap3A_47] : memref<2000x16xf32, #tpu.memory_space<vmem>>, vector<2000x16xf32>
    tpu.vector_store %arg12[%swap3A_46, %swap3A_47], %add3A_45 {strides = array<i32>} : memref<2000x16xf32, #tpu.memory_space<vmem>>, vector<2000x16xf32>,
    return
  }
  func.func @transform_0(%arg0: i32) -> (i32, i32, i32) {
    %c0_i32 = arith.constant 0 : i32
    %c0_i32_0 = arith.constant 0 : i32
    %c0_i32_1 = arith.constant 0 : i32
    return %c0_i32, %arg0, %c0_i32_0 : i32, i32, i32
  }
  func.func @transform_1(%arg0: i32) -> (i32, i32, i32) {
    %c1_i32 = arith.constant 1 : i32
    %c0_i32 = arith.constant 0 : i32
    %c0_i32_0 = arith.constant 0 : i32
    return %c1_i32, %arg0, %c0_i32 : i32, i32, i32
  }
  func.func @transform_2(%arg0: i32) -> (i32, i32) {
    %c0_i32 = arith.constant 0 : i32
    %c0_i32_0 = arith.constant 0 : i32
    return %arg0, %c0_i32 : i32, i32
  }
  func.func @transform_3(%arg0: i32) -> (i32, i32) {
    %c0_i32 = arith.constant 0 : i32
    %c0_i32_0 = arith.constant 0 : i32
    return %arg0, %c0_i32 : i32, i32
  }
  func.func @transform_4(%arg0: i32) -> (i32, i32) {
    %c0_i32 = arith.constant 0 : i32
    %c0_i32_0 = arith.constant 0 : i32
    %c0_i32_1 = arith.constant 0 : i32
    return %c0_i32, %c0_i32_0 : i32, i32
  }
  func.func @transform_5(%arg0: i32) -> (i32, i32) {
    %c0_i32 = arith.constant 0 : i32
    %c0_i32_0 = arith.constant 0 : i32
    %c0_i32_1 = arith.constant 0 : i32
    return %c0_i32, %c0_i32_0 : i32, i32
  }
  func.func @transform_6(%arg0: i32) -> (i32, i32) {
    %c0_i32 = arith.constant 0 : i32
    %c0_i32_0 = arith.constant 0 : i32
    %c0_i32_1 = arith.constant 0 : i32
    return %c0_i32, %c0_i32_0 : i32, i32
  }
  func.func @transform_7(%arg0: i32) -> (i32, i32) {
    %c0_i32 = arith.constant 0 : i32
    %c0_i32_0 = arith.constant 0 : i32
    %c0_i32_1 = arith.constant 0 : i32
    return %c0_i32, %c0_i32_0 : i32, i32
  }
  func.func @transform_8(%arg0: i32) -> (i32, i32) {
    %c0_i32 = arith.constant 0 : i32
    %c0_i32_0 = arith.constant 0 : i32
    return %arg0, %c0_i32 : i32, i32
  }
  func.func @transform_9(%arg0: i32) -> (i32, i32) {
    %c0_i32 = arith.constant 0 : i32
    %c0_i32_0 = arith.constant 0 : i32
    return %arg0, %c0_i32 : i32, i32
  }
  func.func @transform_10(%arg0: i32) -> (i32, i32) {
    %c0_i32 = arith.constant 0 : i32
    %c0_i32_0 = arith.constant 0 : i32
    return %arg0, %c0_i32 : i32, i32
  }
  func.func @transform_11(%arg0: i32) -> (i32, i32) {
    %c0_i32 = arith.constant 0 : i32
    %c0_i32_0 = arith.constant 0 : i32
    return %arg0, %c0_i32 : i32, i32
  }
}

module attributes {stable_mosaic.version = 14 : i64} {
  func.func @_dec_body(%arg0: i32, %arg1: i32, %arg2: memref<2048x16xf32, #tpu.memory_space<vmem>>, %arg3: memref<2048x16xf32, #tpu.memory_space<vmem>>, %arg4: memref<2048x2048xf32, #tpu.memory_space<vmem>>) attributes {dimension_semantics = [#tpu.dimension_semantics<arbitrary>, #tpu.dimension_semantics<arbitrary>], iteration_bounds = array<i64: 5, 5>, scalar_prefetch = 0 : i64, scratch_operands = 0 : i64, tpu.core_type = #tpu.core_type<tc>, window_params = [{transform_indices = @transform_0, window_bounds = array<i64: 2048, 16>}, {transform_indices = @transform_1, window_bounds = array<i64: 2048, 16>}, {transform_indices = @transform_2, window_bounds = array<i64: 2048, 2048>}]} {
    %get3A = arith.constant 0 : index
    %get3A_0 = arith.constant 0 : index
    %get3A_1 = vector.load %arg2[%get3A, %get3A_0] : memref<2048x16xf32, #tpu.memory_space<vmem>>, vector<2048x16xf32>
    %get3A_2 = arith.constant 0 : index
    %get3A_3 = arith.constant 0 : index
    %get3A_4 = vector.load %arg3[%get3A_2, %get3A_3] : memref<2048x16xf32, #tpu.memory_space<vmem>>, vector<2048x16xf32>
    %dot_general3A = arith.constant dense<0.000000e+00> : vector<2048x2048xf32>
    %dot_general3A_5 = tpu.matmul %get3A_1, %get3A_4, %dot_general3A {dimension_numbers = #tpu.dot_dimension_numbers<[1], [1], [0], [0], [0, 0, 1, 0], [], []>, transpose_lhs_hint = false} : vector<2048x16xf32>, vector<2048x16xf32>, vector<2048x2048xf32> -> vector<2048x2048xf32>
    %mul3A = arith.constant 5.000000e-01 : f32
    %mul3A_6 = vector.broadcast %mul3A : f32 to vector<2048x2048xf32>
    %mul3A_7 = arith.mulf %mul3A_6, %dot_general3A_5 : vector<2048x2048xf32>
    %tanh3A = math.tanh %mul3A_7 : vector<2048x2048xf32>
    %mul3A_8 = arith.constant 5.000000e-01 : f32
    %mul3A_9 = vector.broadcast %mul3A_8 : f32 to vector<2048x2048xf32>
    %mul3A_10 = arith.mulf %mul3A_9, %tanh3A : vector<2048x2048xf32>
    %add3A = arith.constant 5.000000e-01 : f32
    %add3A_11 = vector.broadcast %add3A : f32 to vector<2048x2048xf32>
    %add3A_12 = arith.addf %mul3A_10, %add3A_11 : vector<2048x2048xf32>
    %swap3A = arith.constant 0 : index
    %swap3A_13 = arith.constant 0 : index
    %swap3A_14 = vector.load %arg4[%swap3A, %swap3A_13] : memref<2048x2048xf32, #tpu.memory_space<vmem>>, vector<2048x2048xf32>
    tpu.vector_store %arg4[%swap3A, %swap3A_13], %add3A_12 {strides = array<i32>} : memref<2048x2048xf32, #tpu.memory_space<vmem>>, vector<2048x2048xf32>,
    return
  }
  func.func @transform_0(%arg0: i32, %arg1: i32) -> (i32, i32) {
    %c0_i32 = arith.constant 0 : i32
    %c0_i32_0 = arith.constant 0 : i32
    return %arg0, %c0_i32 : i32, i32
  }
  func.func @transform_1(%arg0: i32, %arg1: i32) -> (i32, i32) {
    %c0_i32 = arith.constant 0 : i32
    %c0_i32_0 = arith.constant 0 : i32
    return %arg1, %c0_i32 : i32, i32
  }
  func.func @transform_2(%arg0: i32, %arg1: i32) -> (i32, i32) {
    %c0_i32 = arith.constant 0 : i32
    return %arg0, %arg1 : i32, i32
  }
}

</mosaic_0001>

<sc_bundles>
// kernel: kernel.12.cloned.1.call-start
scs
__scs_entry_jumppad:
0x0: {  	(pc) =	sbr.rel $0x88, $3  }
0x1: {  	(tag) =	ssettag $0x0;
	lr =	simm.s32 $0x1  }
0x2: {  	[smem:$0x3F98] =	sst lr;
	_ =	strace $0xD0000000  }
0x3: {  	_ = 	snop  }
0x4: {  	_ = 	snop  }
0x5: {  	_ = 	snop  }
0x6: {  	_ = 	snop  }
0x7: {  	_ = 	snop  }
__scs_overlays_trampoline_lowered:
0x8: {  	[smem:$0x3FA7] =	sst s0  }
0x9: {  	[smem:$0x3FA8] =	sst s1  }
0xa: {  	[smem:$0x3FA9] =	sst s2  }
0xb: {  	[smem:$0x3FAA] =	sst s3  }
0xc: {  	[smem:$0x3FAB] =	sst s4  }
0xd: {  	[smem:$0x3FAC] =	sst s5  }
0xe: {  	[smem:$0x3FAD] =	sst s6  }
0xf: {  	[smem:$0x3FAE] =	sst s7  }
0x10: {  	[smem:$0x3FAF] =	sst s8  }
0x11: {  	[smem:$0x3FB0] =	sst s9;
	s0 =	simm.s32 @!p0 $0x0  }
0x12: {  	s1 =	sld [smem:$0x3F96];
	s0 =	simm.s32 @p0 $0x1  }
0x13: {  	[smem:$0x3FB1] =	sst s0;
	s0 =	simm.s32 @!p1 $0x0  }
0x14: {  	s2 =	sld [smem:$0x3F95];
	s0 =	simm.s32 @p1 $0x1  }
0x15: {  	[smem:$0x3FB2] =	sst s0;
	s0 =	simm.s32 @!p2 $0x0  }
0x16: {  	s3 =	sld [smem:$0x3FDB];
	s0 =	simm.s32 @p2 $0x1  }
0x17: {  	s4 =	simm.s32 $0x1BF5;
	[smem:$0x3FB4] =	sst s0  }
0x18: {  	s0 =	sld [smem:$0x3F97];
	_ =	swait.ge [sflag:s4], $0x0  }
0x19: {  	s7 =	sld [smem:$0x3F98]  }
0x1a: {  	s8 =	sadd.s32 $0xFFFFE003, lr  }
0x1b: {  	s9 =	sadd.s32 $0xFFFFFEF7, lr;
	s5 =	simm.s32 $0xFFFFFFFF;
	p2 =	slt.u32 s8, $0xFFFFF086  }
0x1c: {  	p1 =	slt.u32 s9, $0xF7A;
	s5 =	simm.s32 @!p2 $0x0  }
0x1d: {  	s5 =	simm.s32 @p1 $0x1;
	p0 =	seq.s32 s7, s2  }
0x1e: {  	s7 =	smul.u32 @!p0 $0xF7A, s2;
	p2 =	seq.s32 @!p0 s5, $0x0  }
0x1f: {  	s9 =	smul.u32 $0xF7A, s1;
	s8 =	simm.s32 @!p0 $0x1BF5;
	p2 =	por !p2, p0  }
0x20: {  	[sflag:s8] =	ssyncset.s32 @!p0 $0xFFFFF086;
	s6 =	sadd.s32 @!p0 s3, s7;
	s7 =	simm.s32 @!p0 $0x108  }
0x21: {  	s3 =	sadd.s32 s3, s9;
	s6 =	sadd.s32 @!p0 $0x88, s6;
	s7 =	simm.s32 @p2 $0x1082  }
0x22: {  	[simem:s7], [sflag:s8] =	dma.local @!p0 [hbm:s6], $0xF7A  }
0x23: {  	s9 =	sor.u32 $0xD0000000, s2;
	s6 =	simm.s32 $0x108;
	_ =	swait.ge @!p0 [sflag:s8], $0x0  }
0x24: {  	s3 =	sadd.s32 $0x88, s3;
	s6 =	simm.s32 @!p1 $0x1082;
	[sflag:s4] =	ssyncset.s32 $0xFFFFF086  }
0x25: {  	[simem:s6], [sflag:s4] =	dma.local [hbm:s3], $0xF7A  }
0x26: {  	[smem:$0x3F98] =	sst s1;
	(tag) =	ssettag s2;
	_ =	strace s9  }
0x27: {  	s1 =	sld [smem:$0x3FA8]  }
0x28: {  	s2 =	sld [smem:$0x3FA9]  }
0x29: {  	s4 =	sld [smem:$0x3FAB]  }
0x2a: {  	p0 =	seq.s32 s5, $0x0;
	s5 =	sld [smem:$0x3FAC]  }
0x2b: {  	s6 =	sld [smem:$0x3FAD]  }
0x2c: {  	s7 =	sld [smem:$0x3FAE]  }
0x2d: {  	s3 =	simm.s32 $0x108;
	s8 =	sld [smem:$0x3FAF]  }
0x2e: {  	s3 =	simm.s32 @!p0 $0x1082;
	s9 =	sld [smem:$0x3FB0]  }
0x2f: {  	lr =	sadd.s32 s0, s3;
	s0 =	sld [smem:$0x3FA7]  }
0x30: {  	s3 =	sld [smem:$0x3FAA]  }
0x31: {  	[smem:$0x3FB3] =	sst s10  }
0x32: {  	s10 =	sld [smem:$0x3FB1];
	_ =	sdelay $0x3  }
0x33: {  	p0 =	seq.s32 s10, $0x1;
	s10 =	sld [smem:$0x3FB3];
	_ =	sdelay $0x3  }
0x34: {  	[smem:$0x3FB3] =	sst s10  }
0x35: {  	s10 =	sld [smem:$0x3FB2];
	_ =	sdelay $0x3  }
0x36: {  	p1 =	seq.s32 s10, $0x1;
	s10 =	sld [smem:$0x3FB3];
	_ =	sdelay $0x3  }
0x37: {  	[smem:$0x3FB3] =	sst s10  }
0x38: {  	s10 =	sld [smem:$0x3FB4]  }
0x39: {  	_ = 	snop;
	(pc) =	sbr.ind lr, $3  }
0x3a: {  	_ = 	snop  }
0x3b: {  	_ = 	snop  }
0x3c: {  	p2 =	seq.s32 s10, $0x1;
	s10 =	sld [smem:$0x3FB3]  }
0x3d: {  	_ =	shalt  }
0x3e: {  	_ =	shalt  }
0x3f: {  	_ =	shalt  }
0x40: {  	_ =	shalt  }
0x41: {  	_ =	shalt  }
0x42: {  	_ =	shalt  }
0x43: {  	_ =	shalt  }
0x44: {  	_ =	shalt  }
0x45: {  	_ =	shalt  }
0x46: {  	_ =	shalt  }
0x47: {  	_ =	shalt  }
0x48: {  	_ =	shalt  }
0x49: {  	_ =	shalt  }
0x4a: {  	_ =	shalt  }
0x4b: {  	_ =	shalt  }
0x4c: {  	_ =	shalt  }
0x4d: {  	_ =	shalt  }
0x4e: {  	_ =	shalt  }
0x4f: {  	_ =	shalt  }
0x50: {  	_ =	shalt  }
0x51: {  	_ =	shalt  }
0x52: {  	_ =	shalt  }
0x53: {  	_ =	shalt  }
0x54: {  	_ =	shalt  }
0x55: {  	_ =	shalt  }
0x56: {  	_ =	shalt  }
0x57: {  	_ =	shalt  }
0x58: {  	_ =	shalt  }
0x59: {  	_ =	shalt  }
0x5a: {  	_ =	shalt  }
0x5b: {  	_ =	shalt  }
0x5c: {  	_ =	shalt  }
0x5d: {  	_ =	shalt  }
0x5e: {  	_ =	shalt  }
0x5f: {  	_ =	shalt  }
0x60: {  	_ =	shalt  }
0x61: {  	_ =	shalt  }
0x62: {  	_ =	shalt  }
0x63: {  	_ =	shalt  }
0x64: {  	_ =	shalt  }
0x65: {  	_ =	shalt  }
0x66: {  	_ =	shalt  }
0x67: {  	_ =	shalt  }
0x68: {  	_ =	shalt  }
0x69: {  	_ =	shalt  }
0x6a: {  	_ =	shalt  }
0x6b: {  	_ =	shalt  }
0x6c: {  	_ =	shalt  }
0x6d: {  	_ =	shalt  }
0x6e: {  	_ =	shalt  }
0x6f: {  	_ =	shalt  }
0x70: {  	_ =	shalt  }
0x71: {  	_ =	shalt  }
0x72: {  	_ =	shalt  }
0x73: {  	_ =	shalt  }
0x74: {  	_ =	shalt  }
0x75: {  	_ =	shalt  }
0x76: {  	_ =	shalt  }
0x77: {  	_ =	shalt  }
0x78: {  	_ =	shalt  }
0x79: {  	_ =	shalt  }
0x7a: {  	_ =	shalt  }
0x7b: {  	_ =	shalt  }
0x7c: {  	_ =	shalt  }
0x7d: {  	_ =	shalt  }
0x7e: {  	_ =	shalt  }
0x7f: {  	_ =	shalt  }
0x80: {  	_ =	shalt  }
0x81: {  	_ =	shalt  }
0x82: {  	_ =	shalt  }
0x83: {  	_ =	shalt  }
0x84: {  	_ =	shalt  }
0x85: {  	_ =	shalt  }
0x86: {  	_ =	shalt  }
0x87: {  	_ =	shalt  }
.Lfunc_end0:
.L_simem_size_0:
called_computation.1_lowered:
.L_overlay_start_0:
0x88: {  	s2 =	sld [smem:$0x3FD9]  }
0x89: {  	s3 =	sld [smem:$0x3FFE];
	_ =	sdelay $0x1  }
0x8a: {  	s1 =	srdreg.scid  }
0x8b: {  	s0 =	sand.u32 $0x1, s1  }
0x8c: {  	s14 =	sshll.u32 s0, $0xA;
	s2 =	sadd.s32 s3, s2  }
0x8d: {  	s2 =	sadd.s32 s2, s14  }
0x8e: {  	[smem:$0x3FBF] =	sst s2  }
0x8f: {  	_ = 	snop  }
0x90: {  	s2 =	sld [smem:$0x3FD0];
	_ =	sdelay $0x2  }
0x91: {  	s15 =	simm.s32 $0xA;
	s4 =	simm.s32 $0x10  }
0x92: {  	[smem:s4], [sflag:s15] =	dma.local [hbm:s2], $0x1  }
0x93: {  	_ =	swait.eq [sflag:s15], $0x1  }
0x94: {  	[sflag:s15] =	ssyncset.done $0x0  }
0x95: {  	[sflag:s15] =	ssyncadd.s32 $0xFFFFFFFF  }
0x96: {  	s16 =	sld [smem:$0x10];
	(tm) =	ssettm $0x1  }
0x97: {  	s17 =	sld [smem:$0x3FFB];
	_ =	sdelay $0x3  }
0x98: {  	_ =	strace s17  }
0x99: {  	s3 =	sld [smem:$0x3FFC];
	_ =	sdelay $0x3  }
0x9a: {  	_ =	strace s3  }
0x9b: {  	s3 =	sld [smem:$0x3FFD];
	_ =	sdelay $0x3  }
0x9c: {  	_ =	strace s3  }
0x9d: {  	_ =	strace $0x8FFFFFFF  }
0x9e: {  	s18 =	sld [smem:$0x3FDB];
	_ =	sdelay $0x1  }
0x9f: {  	s19 =	simm.s32 $_scs_section_size  }
0xa0: {  	s5 =	simm.s32 $_size__tile_overlayer_lowered;
	s6 =	simm.s32 $_tile_overlayer_lowered  }
0xa1: {  	s22 =	simm.s32 $0x1BFF;
	s21 =	sshll.u32 s6, $0x1;
	s3 =	sadd.s32 s19, s18  }
0xa2: {  	s7 =	simm.s32 $0x0;
	s20 =	sshll.u32 s5, $0x1;
	s5 =	sadd.s32 s21, s3  }
0xa3: {  	[timem:s7], [sflag:s22] =	dma.local [hbm:s5], s20  }
0xa4: {  	_ =	swait.ge [sflag:s22], s20  }
0xa5: {  	s4 =	ssub.s32 $0x0, s20;
	[sflag:s22] =	ssyncset.done $0x0  }
0xa6: {  	[sflag:s22] =	ssyncadd.s32 s4;
	_ =	sdelay $0x1  }
0xa7: {  	s23 =	simm.s32 $0x1B8B  }
0xa8: {  	_ =	swait.ge [sflag:s23], $0x1  }
0xa9: {  	[sflag:s23] =	ssyncset.done $0x0  }
0xaa: {  	s25 =	simm.s32 $0x1B8E;
	s24 =	sld [smem:$0x3FFE];
	[sflag:s23] =	ssyncadd.s32 $0xFFFFFFFF  }
0xab: {  	s26 =	simm.s32 $execute0_lowered;
	[smem:$0x3FD2] =	sst s25  }
0xac: {  	s5 =	sshll.u32 s26, $0x1;
	_ =	strace $0x80000049;
	[dreg:$0x1] =	wrdreg $0xFFFFFFFF  }
0xad: {  	s28 =	simm.s32 $_size_execute0_lowered;
	s3 =	sadd.s32 s3, s5;
	[dreg:$0x0] =	wrdreg $0x0  }
0xae: {  	s5 =	sshll.u32 s28, $0x1;
	[dreg:$0x2] =	wrdreg s3  }
0xaf: {  	[dreg:$0x3] =	wrdreg s5  }
0xb0: {  	[dreg:$0x4] =	wrdreg $0xC0  }
0xb1: {  	_ =	task [dreg:s7], $0x5FFFF  }
0xb2: {  	[dreg:$0x1] =	wrdreg $0xFFFFFFFF  }
0xb3: {  	[dreg:$0x0] =	wrdreg $0x60  }
0xb4: {  	[dreg:$0x2] =	wrdreg s16  }
0xb5: {  	[dreg:$0x3] =	wrdreg s24  }
0xb6: {  	[dreg:$0x4] =	wrdreg $0xF8000  }
0xb7: {  	[dreg:$0x5] =	wrdreg $0x9  }
0xb8: {  	_ =	task.clear_ibuf [dreg:s7], $0x6FFFF;
	_ =	strace $0x90000049  }
0xb9: {  	s29 =	simm.s32 $0x9;
	_ =	strace $0x8000004B  }
0xba: {  	_ =	swait.ge [sflag:s29], $0x1  }
0xbb: {  	[sflag:s29] =	ssyncadd.s32 $0xFFFFFFFF  }
0xbc: {  	_ =	strace $0x9000004B  }
0xbd: {  	_ =	sfence  }
0xbe: {  	s30 =	sld [smem:$0x0];
	_ =	sdelay $0x2  }
0xbf: {  	s31 =	sshll.u32 s1, $0xD;
	s1 =	sshrl.u32 s1, $0x2  }
0xc0: {  	s3 =	sand.u32 $0x4000, s31;
	s1 =	sadd.s32 s1, s30  }
0xc1: {  	s0 =	sor.u32 s3, s0;
	s1 =	sshll.u32 s1, $0x11  }
0xc2: {  	s0 =	sor.u32 s1, s0  }
0xc3: {  	s0 =	sadd.s32 $0x8F2B, s0  }
0xc4: {  	[sflag:s0] =	ssyncadd.remote.s32 $0x1  }
0xc5: {  	_ =	sfence.sel $0xFFFF  }
0xc6: {  	[dreg:$0x0] =	wrdreg $0xFFFFFFFF;
	(pc) =	sbr.abs _section_cstart, $3  }
0xc7: {  	[dreg:$0x1] =	wrdreg $0xFFFFFFFF  }
0xc8: {  	_ =	task.clear_ibuf [dreg:s7], $0x2FFFF;
	_ =	strace $0x9FFFFFFF  }
0xc9: {  	(tm) =	ssettm $0x7FFFFFFF  }
tec
execute0_lowered:
.L_overlay_start_1:
0x0: {  	(tag) =	ssettag $0x1  }
0x1: {  	s2 =	rddreg [dreg:$0x0]  }
0x2: {  	s0 =	rddreg [dreg:$0x1]  }
0x3: {  	s3 =	rddreg [dreg:$0x2];
	s1 =	srdreg.scid  }
0x4: {  	s6 =	stileid.u32;
	s4 =	simm.s32 $0x0;
	s10 =	simm.s32 $0xA800  }
0x5: {  	s11 =	simm.s32 $0x5;
	s12 =	simm.s32 $0x1400;
	s13 =	simm.s32 $0x200  }
0x6: {  	s14 =	simm.s32 $0x2800;
	s15 =	simm.s32 $0x6800;
	s16 =	simm.s32 $0x1  }
0x7: {  	s17 =	simm.s32 $0x3;
	s19 =	simm.s32 $0x2;
	s21 =	simm.s32 $0x4  }
0x8: {  	s29 =	simm.s32 $0xC00;
	s30 =	simm.s32 $0x1E00;
	s31 =	simm.s32 $0xE00  }
0x9: {  	s18 =	simm.s32 $0x2200;
	s20 =	simm.s32 $0x1200;
	s22 =	simm.s32 $0x2400  }
0xa: {  	s23 =	simm.s32 $0x2600;
	s1 =	sand.u32 $0x1, s1;
	s5 =	smul.u32 $0x5000, s6  }
0xb: {  	s24 =	simm.s32 $0x0;
	s6 =	sshll.u32 s6, $0x1;
	s7 =	smul.u32 $0x50000, s1  }
0xc: {  	[smem:$0x7FF] =	sst s4;
	s6 =	sor.u32 s1, s6;
	s1 =	ssub.s32 $0x2, s1  }
0xd: {  	s6 =	smul.u32 $0x280, s6;
	s8 =	sshrl.u32 s1, $0x1;
	s7 =	sadd.s32 s5, s7  }
0xe: {  	_ =	strace $0x8000004A;
	s1 =	ssub.s32 s1, s8;
	s7 =	sshrl.u32 s7, $0x3  }
0xf: {  	s5 =	sadd.s32 s5, s3;
	s9 =	sadd.s32 s6, s0;
	s0 =	sadd.s32 s7, s0  }
0x10: {  	s6 =	sadd.s32 $0x7600, s9;
	s7 =	sadd.s32 $0x2600, s9;
	s9 =	smax.u32 s1, $0x1  }
0x11: {  	v0 =	vimm.f32 $0.0e+00;
	s1 =	simm.s32 $0x1000;
	s8 =	sadd.s32 $0x33800, s0;
	s0 =	simm.s32 $0x2000  }
.LBB2_1:
0x12: {  	s25 =	simm.s32 $0x80;
	s26 =	simm.s32 $0x0  }
.LBB2_2:
0x13: {  	p0 =	sne.s32 s25, $0x13F80;
	[tilespmem:s26+$0xA800] =	vst v0;
	s28 =	smov.u32 s25;
	s25 =	sadd.s32 $0x80, s25  }
.Ltmp0:
0x14: {  	[tilespmem:s26+$0xA810] =	vst v0;
	(pc) =	sbr.rel @p0 .LBB2_2-.Ltmp0, $2  }
0x15: {  	_ =	sdelay $0x2  }
0x16: {  	s26 =	sshra.s32 s28, $0x2  }
0x17: {  	[tilespmem:s26+$0xA800] =	vst v0  }
0x18: {  	[tilespmem:s26+$0xA810] =	vst v0  }
0x19: {  	[spmem:s5] =	stream.linear.scatter [tilespmem:s10], [sflag:$0x5], $0x5000, $0x38;
	[tilespmem:$0x14800] =	vst v63  }
0x1a: {  	_ =	swait.ge [sflag:s11], $0x5000  }
0x1b: {  	[sflag:s11] =	ssyncset.done $0x0  }
0x1c: {  	[sflag:s11] =	ssyncadd.s32 $0xFFFFB000  }
0x1d: {  	[tilespmem:s4], [sflag:$0x5] =	stream.linear.gather [hbm4b:s6+s4], $0x1400, $0x38;
	[tilespmem:$0x14800] =	vst v63  }
0x1e: {  	_ =	swait.ge [sflag:s11], $0x1400  }
0x1f: {  	[sflag:s11] =	ssyncset.done $0x0  }
0x20: {  	[sflag:s11] =	ssyncadd.s32 $0xFFFFEC00  }
0x21: {  	[tilespmem:s12], [sflag:$0x5] =	stream.linear.gather [hbm4b:s7+s4], $0x1400, $0x38;
	[tilespmem:$0x14800] =	vst v63  }
0x22: {  	_ =	swait.ge [sflag:s11], $0x1400  }
0x23: {  	[sflag:s11] =	ssyncset.done $0x0  }
0x24: {  	[sflag:s11] =	ssyncadd.s32 $0xFFFFEC00  }
0x25: {  	[bflag:$0x0] =	sbarrier.arrive $0xFFFF  }
0x26: {  	[tilespmem:s14], [sflag:$0x1] =	stream.indirect.gather [hbm4b:s2+s13], $0x20, s4, s13, $0xb8;
	[tilespmem:$0x14800] =	vst v63  }
0x27: {  	_ = 	snop  }
0x28: {  	[tilespmem:s15], [sflag:$0x2] =	stream.indirect.gather [hbm4b:s2+s13], $0x20, s13, s13, $0xb8;
	[tilespmem:$0x14800] =	vst v63  }
0x29: {  	_ =	swait.ge [sflag:s16], $0x4000  }
0x2a: {  	[sflag:s16] =	ssyncset.done $0x0  }
0x2b: {  	[sflag:s16] =	ssyncadd.s32 $0xFFFFC000  }
0x2c: {  	[spmem:s3] =	stream.indirect.scatter.add.f32 [tilespmem:s14], [sflag:$0x3], $0x20, s12, s13, $0xb8;
	[tilespmem:$0x14800] =	vst v63  }
0x2d: {  	_ =	swait.ge [sflag:s17], $0x4000  }
0x2e: {  	[sflag:s17] =	ssyncset.done $0x0  }
0x2f: {  	s25 =	simm.s32 $0x400;
	[sflag:s17] =	ssyncadd.s32 $0xFFFFC000  }
0x30: {  	[tilespmem:s14], [sflag:$0x1] =	stream.indirect.gather [hbm4b:s2+s13], $0x20, s25, s13, $0xb8;
	[tilespmem:$0x14800] =	vst v63  }
0x31: {  	_ =	swait.ge [sflag:s19], $0x4000  }
0x32: {  	[sflag:s19] =	ssyncset.done $0x0  }
0x33: {  	s28 =	simm.s32 $0x1600;
	[sflag:s19] =	ssyncadd.s32 $0xFFFFC000  }
0x34: {  	[spmem:s3] =	stream.indirect.scatter.add.f32 [tilespmem:s15], [sflag:$0x4], $0x20, s28, s13, $0xb8;
	[tilespmem:$0x14800] =	vst v63  }
0x35: {  	_ =	swait.ge [sflag:s21], $0x4000  }
0x36: {  	[sflag:s21] =	ssyncset.done $0x0  }
0x37: {  	s26 =	simm.s32 $0x600;
	[sflag:s21] =	ssyncadd.s32 $0xFFFFC000  }
0x38: {  	[tilespmem:s15], [sflag:$0x2] =	stream.indirect.gather [hbm4b:s2+s13], $0x20, s26, s13, $0xb8;
	[tilespmem:$0x14800] =	vst v63  }
0x39: {  	_ =	swait.ge [sflag:s16], $0x4000  }
0x3a: {  	[sflag:s16] =	ssyncset.done $0x0  }
0x3b: {  	s28 =	simm.s32 $0x1800;
	[sflag:s16] =	ssyncadd.s32 $0xFFFFC000  }
0x3c: {  	[spmem:s3] =	stream.indirect.scatter.add.f32 [tilespmem:s14], [sflag:$0x3], $0x20, s28, s13, $0xb8;
	[tilespmem:$0x14800] =	vst v63  }
0x3d: {  	_ =	swait.ge [sflag:s17], $0x4000  }
0x3e: {  	[sflag:s17] =	ssyncset.done $0x0  }
0x3f: {  	s26 =	simm.s32 $0x800;
	[sflag:s17] =	ssyncadd.s32 $0xFFFFC000  }
0x40: {  	[tilespmem:s14], [sflag:$0x1] =	stream.indirect.gather [hbm4b:s2+s13], $0x20, s26, s13, $0xb8;
	[tilespmem:$0x14800] =	vst v63  }
0x41: {  	_ =	swait.ge [sflag:s19], $0x4000  }
0x42: {  	[sflag:s19] =	ssyncset.done $0x0  }
0x43: {  	s28 =	simm.s32 $0x1A00;
	[sflag:s19] =	ssyncadd.s32 $0xFFFFC000  }
0x44: {  	[spmem:s3] =	stream.indirect.scatter.add.f32 [tilespmem:s15], [sflag:$0x4], $0x20, s28, s13, $0xb8;
	[tilespmem:$0x14800] =	vst v63  }
0x45: {  	_ =	swait.ge [sflag:s21], $0x4000  }
0x46: {  	[sflag:s21] =	ssyncset.done $0x0  }
0x47: {  	s26 =	simm.s32 $0xA00;
	[sflag:s21] =	ssyncadd.s32 $0xFFFFC000  }
0x48: {  	[tilespmem:s15], [sflag:$0x2] =	stream.indirect.gather [hbm4b:s2+s13], $0x20, s26, s13, $0xb8;
	[tilespmem:$0x14800] =	vst v63  }
0x49: {  	_ =	swait.ge [sflag:s16], $0x4000  }
0x4a: {  	[sflag:s16] =	ssyncset.done $0x0  }
0x4b: {  	s28 =	simm.s32 $0x1C00;
	[sflag:s16] =	ssyncadd.s32 $0xFFFFC000  }
0x4c: {  	[spmem:s3] =	stream.indirect.scatter.add.f32 [tilespmem:s14], [sflag:$0x3], $0x20, s28, s13, $0xb8;
	[tilespmem:$0x14800] =	vst v63  }
0x4d: {  	_ =	swait.ge [sflag:s17], $0x4000  }
0x4e: {  	[sflag:s17] =	ssyncset.done $0x0  }
0x4f: {  	[sflag:s17] =	ssyncadd.s32 $0xFFFFC000  }
0x50: {  	[tilespmem:s14], [sflag:$0x1] =	stream.indirect.gather [hbm4b:s2+s13], $0x20, s29, s13, $0xb8;
	[tilespmem:$0x14800] =	vst v63  }
0x51: {  	_ =	swait.ge [sflag:s19], $0x4000  }
0x52: {  	[sflag:s19] =	ssyncset.done $0x0  }
0x53: {  	[sflag:s19] =	ssyncadd.s32 $0xFFFFC000  }
0x54: {  	[spmem:s3] =	stream.indirect.scatter.add.f32 [tilespmem:s15], [sflag:$0x4], $0x20, s30, s13, $0xb8;
	[tilespmem:$0x14800] =	vst v63  }
0x55: {  	_ =	swait.ge [sflag:s21], $0x4000  }
0x56: {  	[sflag:s21] =	ssyncset.done $0x0  }
0x57: {  	[sflag:s21] =	ssyncadd.s32 $0xFFFFC000  }
0x58: {  	[tilespmem:s15], [sflag:$0x2] =	stream.indirect.gather [hbm4b:s2+s13], $0x20, s31, s13, $0xb8;
	[tilespmem:$0x14800] =	vst v63  }
0x59: {  	_ =	swait.ge [sflag:s16], $0x4000  }
0x5a: {  	[sflag:s16] =	ssyncset.done $0x0  }
0x5b: {  	[sflag:s16] =	ssyncadd.s32 $0xFFFFC000  }
0x5c: {  	[spmem:s3] =	stream.indirect.scatter.add.f32 [tilespmem:s14], [sflag:$0x3], $0x20, s0, s13, $0xb8;
	[tilespmem:$0x14800] =	vst v63  }
0x5d: {  	_ =	swait.ge [sflag:s17], $0x4000  }
0x5e: {  	[sflag:s17] =	ssyncset.done $0x0  }
0x5f: {  	[sflag:s17] =	ssyncadd.s32 $0xFFFFC000  }
0x60: {  	[tilespmem:s14], [sflag:$0x1] =	stream.indirect.gather [hbm4b:s2+s13], $0x20, s1, s13, $0xb8;
	[tilespmem:$0x14800] =	vst v63  }
0x61: {  	_ =	swait.ge [sflag:s19], $0x4000  }
0x62: {  	[sflag:s19] =	ssyncset.done $0x0  }
0x63: {  	[sflag:s19] =	ssyncadd.s32 $0xFFFFC000  }
0x64: {  	[spmem:s3] =	stream.indirect.scatter.add.f32 [tilespmem:s15], [sflag:$0x4], $0x20, s18, s13, $0xb8;
	[tilespmem:$0x14800] =	vst v63  }
0x65: {  	_ =	swait.ge [sflag:s21], $0x4000  }
0x66: {  	[sflag:s21] =	ssyncset.done $0x0  }
0x67: {  	[sflag:s21] =	ssyncadd.s32 $0xFFFFC000  }
0x68: {  	[tilespmem:s15], [sflag:$0x2] =	stream.indirect.gather [hbm4b:s2+s13], $0x20, s20, s13, $0xb8;
	[tilespmem:$0x14800] =	vst v63  }
0x69: {  	_ =	swait.ge [sflag:s16], $0x4000  }
0x6a: {  	[sflag:s16] =	ssyncset.done $0x0  }
0x6b: {  	[sflag:s16] =	ssyncadd.s32 $0xFFFFC000  }
0x6c: {  	[spmem:s3] =	stream.indirect.scatter.add.f32 [tilespmem:s14], [sflag:$0x3], $0x20, s22, s13, $0xb8;
	[tilespmem:$0x14800] =	vst v63  }
0x6d: {  	_ =	swait.ge [sflag:s19], $0x4000  }
0x6e: {  	[sflag:s19] =	ssyncset.done $0x0  }
0x6f: {  	[sflag:s19] =	ssyncadd.s32 $0xFFFFC000  }
0x70: {  	[spmem:s3] =	stream.indirect.scatter.add.f32 [tilespmem:s15], [sflag:$0x4], $0x20, s23, s13, $0xb8;
	[tilespmem:$0x14800] =	vst v63  }
0x71: {  	_ =	swait.ge [sflag:s17], $0x4000  }
0x72: {  	[sflag:s17] =	ssyncset.done $0x0  }
0x73: {  	[sflag:s17] =	ssyncadd.s32 $0xFFFFC000  }
0x74: {  	_ =	swait.ge [sflag:s21], $0x4000  }
0x75: {  	[sflag:s21] =	ssyncset.done $0x0  }
0x76: {  	[sflag:s21] =	ssyncadd.s32 $0xFFFFC000  }
0x77: {  	[bflag:$0x0] =	sbarrier.arrive $0xFFFF  }
0x78: {  	[tilespmem:s10], [sflag:$0x5] =	stream.linear.gather [spmem:s5], $0x5000, $0x38;
	[tilespmem:$0x14800] =	vst v63  }
0x79: {  	s24 =	sadd.s32 $0x1, s24;
	_ =	swait.ge [sflag:s11], $0x5000  }
0x7a: {  	p0 =	sne.s32 s24, s9;
	[sflag:s11] =	ssyncset.done $0x0  }
.Ltmp1:
0x7b: {  	[sflag:s11] =	ssyncadd.s32 $0xFFFFB000;
	(pc) =	sbr.rel @p0 .LBB2_1-.Ltmp1, $4  }
0x7c: {  	[hbm4b:s8+s4] =	stream.linear.scatter [tilespmem:s10], [sflag:$0x5], $0x5000, $0x38;
	[tilespmem:$0x14800] =	vst v63  }
0x7d: {  	_ =	swait.ge [sflag:s11], $0x5000  }
0x7e: {  	[sflag:s11] =	ssyncset.done $0x0  }
0x7f: {  	[sflag:s11] =	ssyncadd.s32 $0xFFFFB000  }
0x80: {  	_ =	sfence.sel $0x180000  }
0x81: {  	[bflag:$0x0] =	sbarrier.arrive $0xFFFF  }
0x82: {  	_ =	strace $0x9000004A  }
0x83: {  	s0 =	stileid.u32;
	[bflag:$0x2] =	sbarrier.arrive $0xFFFF  }
0x84: {  	p0 =	sne.s32 s0, $0x0;
	s0 =	rddreg [dreg:$0x3]  }
0x85: {  	s0 =	sadd.s32 @!p0 $0x100000, s0  }
0x86: {  	[sflag:s0] =	ssyncadd.tile.s32 @!p0 $0x1;
	_ =	shalt  }
.Lfunc_end2:
_tile_overlayer_lowered:
.L_overlay_start_2:
0x87: {  	(tag) =	ssettag $0x2  }
0x88: {  	s0 =	rddreg [dreg:$0x0];
	s2 =	stileid.u32  }
0x89: {  	s1 =	rddreg [dreg:$0x1];
	p0 =	sne.s32 s2, $0x0  }
0x8a: {  	s3 =	rddreg [dreg:$0x2];
	[bflag:$0x3] =	sbarrier.arrive $0xFFFF;
	s2 =	simm.s32 @!p0 $0x1C05  }
0x8b: {  	[timem:s3], [sflag:s2] =	dma.local @!p0 [hbm:s0], s1  }
0x8c: {  	s0 =	simm.s32 @!p0 $0x5  }
0x8d: {  	_ =	swait.ge @!p0 [sflag:s0], s1  }
0x8e: {  	s1 =	ssub.s32 @!p0 $0x0, s1;
	[sflag:s0] =	ssyncset.done @!p0 $0x0  }
0x8f: {  	[sflag:s0] =	ssyncadd.s32 @!p0 s1  }
0x90: {  	[bflag:$0x3] =	sbarrier.arrive $0xFFFF  }
0x91: {  	_ =	shalt  }

// kernel: kernel.15.cloned.1.call-start
scs
__scs_entry_jumppad:
0x0: {  	(pc) =	sbr.rel $0x88, $3  }
0x1: {  	(tag) =	ssettag $0x0;
	lr =	simm.s32 $0x1  }
0x2: {  	[smem:$0x3F98] =	sst lr;
	_ =	strace $0xD0000000  }
0x3: {  	_ = 	snop  }
0x4: {  	_ = 	snop  }
0x5: {  	_ = 	snop  }
0x6: {  	_ = 	snop  }
0x7: {  	_ = 	snop  }
__scs_overlays_trampoline_lowered:
0x8: {  	[smem:$0x3FA7] =	sst s0  }
0x9: {  	[smem:$0x3FA8] =	sst s1  }
0xa: {  	[smem:$0x3FA9] =	sst s2  }
0xb: {  	[smem:$0x3FAA] =	sst s3  }
0xc: {  	[smem:$0x3FAB] =	sst s4  }
0xd: {  	[smem:$0x3FAC] =	sst s5  }
0xe: {  	[smem:$0x3FAD] =	sst s6  }
0xf: {  	[smem:$0x3FAE] =	sst s7  }
0x10: {  	[smem:$0x3FAF] =	sst s8  }
0x11: {  	[smem:$0x3FB0] =	sst s9;
	s0 =	simm.s32 @!p0 $0x0  }
0x12: {  	s1 =	sld [smem:$0x3F96];
	s0 =	simm.s32 @p0 $0x1  }
0x13: {  	[smem:$0x3FB1] =	sst s0;
	s0 =	simm.s32 @!p1 $0x0  }
0x14: {  	s2 =	sld [smem:$0x3F95];
	s0 =	simm.s32 @p1 $0x1  }
0x15: {  	[smem:$0x3FB2] =	sst s0;
	s0 =	simm.s32 @!p2 $0x0  }
0x16: {  	s3 =	sld [smem:$0x3FDB];
	s0 =	simm.s32 @p2 $0x1  }
0x17: {  	s4 =	simm.s32 $0x1BF5;
	[smem:$0x3FB4] =	sst s0  }
0x18: {  	s0 =	sld [smem:$0x3F97];
	_ =	swait.ge [sflag:s4], $0x0  }
0x19: {  	s7 =	sld [smem:$0x3F98]  }
0x1a: {  	s8 =	sadd.s32 $0xFFFFE003, lr  }
0x1b: {  	s9 =	sadd.s32 $0xFFFFFEF7, lr;
	s5 =	simm.s32 $0xFFFFFFFF;
	p2 =	slt.u32 s8, $0xFFFFF086  }
0x1c: {  	p1 =	slt.u32 s9, $0xF7A;
	s5 =	simm.s32 @!p2 $0x0  }
0x1d: {  	s5 =	simm.s32 @p1 $0x1;
	p0 =	seq.s32 s7, s2  }
0x1e: {  	s7 =	smul.u32 @!p0 $0xF7A, s2;
	p2 =	seq.s32 @!p0 s5, $0x0  }
0x1f: {  	s9 =	smul.u32 $0xF7A, s1;
	s8 =	simm.s32 @!p0 $0x1BF5;
	p2 =	por !p2, p0  }
0x20: {  	[sflag:s8] =	ssyncset.s32 @!p0 $0xFFFFF086;
	s6 =	sadd.s32 @!p0 s3, s7;
	s7 =	simm.s32 @!p0 $0x108  }
0x21: {  	s3 =	sadd.s32 s3, s9;
	s6 =	sadd.s32 @!p0 $0x88, s6;
	s7 =	simm.s32 @p2 $0x1082  }
0x22: {  	[simem:s7], [sflag:s8] =	dma.local @!p0 [hbm:s6], $0xF7A  }
0x23: {  	s9 =	sor.u32 $0xD0000000, s2;
	s6 =	simm.s32 $0x108;
	_ =	swait.ge @!p0 [sflag:s8], $0x0  }
0x24: {  	s3 =	sadd.s32 $0x88, s3;
	s6 =	simm.s32 @!p1 $0x1082;
	[sflag:s4] =	ssyncset.s32 $0xFFFFF086  }
0x25: {  	[simem:s6], [sflag:s4] =	dma.local [hbm:s3], $0xF7A  }
0x26: {  	[smem:$0x3F98] =	sst s1;
	(tag) =	ssettag s2;
	_ =	strace s9  }
0x27: {  	s1 =	sld [smem:$0x3FA8]  }
0x28: {  	s2 =	sld [smem:$0x3FA9]  }
0x29: {  	s4 =	sld [smem:$0x3FAB]  }
0x2a: {  	p0 =	seq.s32 s5, $0x0;
	s5 =	sld [smem:$0x3FAC]  }
0x2b: {  	s6 =	sld [smem:$0x3FAD]  }
0x2c: {  	s7 =	sld [smem:$0x3FAE]  }
0x2d: {  	s3 =	simm.s32 $0x108;
	s8 =	sld [smem:$0x3FAF]  }
0x2e: {  	s3 =	simm.s32 @!p0 $0x1082;
	s9 =	sld [smem:$0x3FB0]  }
0x2f: {  	lr =	sadd.s32 s0, s3;
	s0 =	sld [smem:$0x3FA7]  }
0x30: {  	s3 =	sld [smem:$0x3FAA]  }
0x31: {  	[smem:$0x3FB3] =	sst s10  }
0x32: {  	s10 =	sld [smem:$0x3FB1];
	_ =	sdelay $0x3  }
0x33: {  	p0 =	seq.s32 s10, $0x1;
	s10 =	sld [smem:$0x3FB3];
	_ =	sdelay $0x3  }
0x34: {  	[smem:$0x3FB3] =	sst s10  }
0x35: {  	s10 =	sld [smem:$0x3FB2];
	_ =	sdelay $0x3  }
0x36: {  	p1 =	seq.s32 s10, $0x1;
	s10 =	sld [smem:$0x3FB3];
	_ =	sdelay $0x3  }
0x37: {  	[smem:$0x3FB3] =	sst s10  }
0x38: {  	s10 =	sld [smem:$0x3FB4]  }
0x39: {  	_ = 	snop;
	(pc) =	sbr.ind lr, $3  }
0x3a: {  	_ = 	snop  }
0x3b: {  	_ = 	snop  }
0x3c: {  	p2 =	seq.s32 s10, $0x1;
	s10 =	sld [smem:$0x3FB3]  }
0x3d: {  	_ =	shalt  }
0x3e: {  	_ =	shalt  }
0x3f: {  	_ =	shalt  }
0x40: {  	_ =	shalt  }
0x41: {  	_ =	shalt  }
0x42: {  	_ =	shalt  }
0x43: {  	_ =	shalt  }
0x44: {  	_ =	shalt  }
0x45: {  	_ =	shalt  }
0x46: {  	_ =	shalt  }
0x47: {  	_ =	shalt  }
0x48: {  	_ =	shalt  }
0x49: {  	_ =	shalt  }
0x4a: {  	_ =	shalt  }
0x4b: {  	_ =	shalt  }
0x4c: {  	_ =	shalt  }
0x4d: {  	_ =	shalt  }
0x4e: {  	_ =	shalt  }
0x4f: {  	_ =	shalt  }
0x50: {  	_ =	shalt  }
0x51: {  	_ =	shalt  }
0x52: {  	_ =	shalt  }
0x53: {  	_ =	shalt  }
0x54: {  	_ =	shalt  }
0x55: {  	_ =	shalt  }
0x56: {  	_ =	shalt  }
0x57: {  	_ =	shalt  }
0x58: {  	_ =	shalt  }
0x59: {  	_ =	shalt  }
0x5a: {  	_ =	shalt  }
0x5b: {  	_ =	shalt  }
0x5c: {  	_ =	shalt  }
0x5d: {  	_ =	shalt  }
0x5e: {  	_ =	shalt  }
0x5f: {  	_ =	shalt  }
0x60: {  	_ =	shalt  }
0x61: {  	_ =	shalt  }
0x62: {  	_ =	shalt  }
0x63: {  	_ =	shalt  }
0x64: {  	_ =	shalt  }
0x65: {  	_ =	shalt  }
0x66: {  	_ =	shalt  }
0x67: {  	_ =	shalt  }
0x68: {  	_ =	shalt  }
0x69: {  	_ =	shalt  }
0x6a: {  	_ =	shalt  }
0x6b: {  	_ =	shalt  }
0x6c: {  	_ =	shalt  }
0x6d: {  	_ =	shalt  }
0x6e: {  	_ =	shalt  }
0x6f: {  	_ =	shalt  }
0x70: {  	_ =	shalt  }
0x71: {  	_ =	shalt  }
0x72: {  	_ =	shalt  }
0x73: {  	_ =	shalt  }
0x74: {  	_ =	shalt  }
0x75: {  	_ =	shalt  }
0x76: {  	_ =	shalt  }
0x77: {  	_ =	shalt  }
0x78: {  	_ =	shalt  }
0x79: {  	_ =	shalt  }
0x7a: {  	_ =	shalt  }
0x7b: {  	_ =	shalt  }
0x7c: {  	_ =	shalt  }
0x7d: {  	_ =	shalt  }
0x7e: {  	_ =	shalt  }
0x7f: {  	_ =	shalt  }
0x80: {  	_ =	shalt  }
0x81: {  	_ =	shalt  }
0x82: {  	_ =	shalt  }
0x83: {  	_ =	shalt  }
0x84: {  	_ =	shalt  }
0x85: {  	_ =	shalt  }
0x86: {  	_ =	shalt  }
0x87: {  	_ =	shalt  }
.Lfunc_end0:
.L_simem_size_0:
called_computation.2_lowered:
.L_overlay_start_0:
0x88: {  	s2 =	sld [smem:$0x3FD9]  }
0x89: {  	s3 =	sld [smem:$0x3FFE];
	_ =	sdelay $0x1  }
0x8a: {  	s1 =	srdreg.scid  }
0x8b: {  	s0 =	sand.u32 $0x1, s1  }
0x8c: {  	s14 =	sshll.u32 s0, $0xA;
	s2 =	sadd.s32 s3, s2  }
0x8d: {  	s2 =	sadd.s32 s2, s14  }
0x8e: {  	[smem:$0x3FBF] =	sst s2  }
0x8f: {  	_ = 	snop  }
0x90: {  	s2 =	sld [smem:$0x3FD0];
	_ =	sdelay $0x2  }
0x91: {  	s15 =	simm.s32 $0xA;
	s4 =	simm.s32 $0x10  }
0x92: {  	[smem:s4], [sflag:s15] =	dma.local [hbm:s2], $0x1  }
0x93: {  	_ =	swait.eq [sflag:s15], $0x1  }
0x94: {  	[sflag:s15] =	ssyncset.done $0x0  }
0x95: {  	[sflag:s15] =	ssyncadd.s32 $0xFFFFFFFF  }
0x96: {  	s16 =	sld [smem:$0x10];
	(tm) =	ssettm $0x1  }
0x97: {  	s17 =	sld [smem:$0x3FFB];
	_ =	sdelay $0x3  }
0x98: {  	_ =	strace s17  }
0x99: {  	s3 =	sld [smem:$0x3FFC];
	_ =	sdelay $0x3  }
0x9a: {  	_ =	strace s3  }
0x9b: {  	s3 =	sld [smem:$0x3FFD];
	_ =	sdelay $0x3  }
0x9c: {  	_ =	strace s3  }
0x9d: {  	_ =	strace $0x8FFFFFFF  }
0x9e: {  	s18 =	sld [smem:$0x3FDB];
	_ =	sdelay $0x1  }
0x9f: {  	s19 =	simm.s32 $_scs_section_size  }
0xa0: {  	s5 =	simm.s32 $_size__tile_overlayer_lowered;
	s6 =	simm.s32 $_tile_overlayer_lowered  }
0xa1: {  	s22 =	simm.s32 $0x1BFF;
	s21 =	sshll.u32 s6, $0x1;
	s3 =	sadd.s32 s19, s18  }
0xa2: {  	s7 =	simm.s32 $0x0;
	s20 =	sshll.u32 s5, $0x1;
	s5 =	sadd.s32 s21, s3  }
0xa3: {  	[timem:s7], [sflag:s22] =	dma.local [hbm:s5], s20  }
0xa4: {  	_ =	swait.ge [sflag:s22], s20  }
0xa5: {  	s4 =	ssub.s32 $0x0, s20;
	[sflag:s22] =	ssyncset.done $0x0  }
0xa6: {  	[sflag:s22] =	ssyncadd.s32 s4;
	_ =	sdelay $0x1  }
0xa7: {  	s23 =	simm.s32 $0x1B8B  }
0xa8: {  	_ =	swait.ge [sflag:s23], $0x1  }
0xa9: {  	[sflag:s23] =	ssyncset.done $0x0  }
0xaa: {  	s25 =	simm.s32 $0x1B8E;
	s24 =	sld [smem:$0x3FFE];
	[sflag:s23] =	ssyncadd.s32 $0xFFFFFFFF  }
0xab: {  	s26 =	simm.s32 $execute0_lowered;
	[smem:$0x3FD2] =	sst s25  }
0xac: {  	s5 =	sshll.u32 s26, $0x1;
	_ =	strace $0x8000004C;
	[dreg:$0x1] =	wrdreg $0xFFFFFFFF  }
0xad: {  	s28 =	simm.s32 $_size_execute0_lowered;
	s3 =	sadd.s32 s3, s5;
	[dreg:$0x0] =	wrdreg $0x0  }
0xae: {  	s5 =	sshll.u32 s28, $0x1;
	[dreg:$0x2] =	wrdreg s3  }
0xaf: {  	[dreg:$0x3] =	wrdreg s5  }
0xb0: {  	[dreg:$0x4] =	wrdreg $0xC0  }
0xb1: {  	_ =	task [dreg:s7], $0x5FFFF  }
0xb2: {  	[dreg:$0x1] =	wrdreg $0xFFFFFFFF  }
0xb3: {  	[dreg:$0x0] =	wrdreg $0x60  }
0xb4: {  	[dreg:$0x2] =	wrdreg s16  }
0xb5: {  	[dreg:$0x3] =	wrdreg s24  }
0xb6: {  	[dreg:$0x4] =	wrdreg $0xF8000  }
0xb7: {  	[dreg:$0x5] =	wrdreg $0x9  }
0xb8: {  	_ =	task.clear_ibuf [dreg:s7], $0x6FFFF;
	_ =	strace $0x9000004C  }
0xb9: {  	s29 =	simm.s32 $0x9;
	_ =	strace $0x8000004E  }
0xba: {  	_ =	swait.ge [sflag:s29], $0x1  }
0xbb: {  	[sflag:s29] =	ssyncadd.s32 $0xFFFFFFFF  }
0xbc: {  	_ =	strace $0x9000004E  }
0xbd: {  	_ =	sfence  }
0xbe: {  	s30 =	sld [smem:$0x0];
	_ =	sdelay $0x2  }
0xbf: {  	s31 =	sshll.u32 s1, $0xD;
	s1 =	sshrl.u32 s1, $0x2  }
0xc0: {  	s3 =	sand.u32 $0x4000, s31;
	s1 =	sadd.s32 s1, s30  }
0xc1: {  	s0 =	sor.u32 s3, s0;
	s1 =	sshll.u32 s1, $0x11  }
0xc2: {  	s0 =	sor.u32 s1, s0  }
0xc3: {  	s0 =	sadd.s32 $0x8F2B, s0  }
0xc4: {  	[sflag:s0] =	ssyncadd.remote.s32 $0x1  }
0xc5: {  	_ =	sfence.sel $0xFFFF  }
0xc6: {  	[dreg:$0x0] =	wrdreg $0xFFFFFFFF;
	(pc) =	sbr.abs _section_cstart, $3  }
0xc7: {  	[dreg:$0x1] =	wrdreg $0xFFFFFFFF  }
0xc8: {  	_ =	task.clear_ibuf [dreg:s7], $0x2FFFF;
	_ =	strace $0x9FFFFFFF  }
0xc9: {  	(tm) =	ssettm $0x7FFFFFFF  }
tec
execute0_lowered:
.L_overlay_start_1:
0x0: {  	(tag) =	ssettag $0x1  }
0x1: {  	s2 =	rddreg [dreg:$0x0]  }
0x2: {  	s0 =	rddreg [dreg:$0x1]  }
0x3: {  	s3 =	rddreg [dreg:$0x2];
	s1 =	srdreg.scid  }
0x4: {  	s6 =	stileid.u32;
	s4 =	simm.s32 $0x0;
	s10 =	simm.s32 $0xA800  }
0x5: {  	s11 =	simm.s32 $0x5;
	s12 =	simm.s32 $0x1400;
	s13 =	simm.s32 $0x200  }
0x6: {  	s14 =	simm.s32 $0x2800;
	s15 =	simm.s32 $0x6800;
	s16 =	simm.s32 $0x1  }
0x7: {  	s17 =	simm.s32 $0x3;
	s19 =	simm.s32 $0x2;
	s21 =	simm.s32 $0x4  }
0x8: {  	s29 =	simm.s32 $0xC00;
	s30 =	simm.s32 $0x1E00;
	s31 =	simm.s32 $0xE00  }
0x9: {  	s18 =	simm.s32 $0x2200;
	s20 =	simm.s32 $0x1200;
	s22 =	simm.s32 $0x2400  }
0xa: {  	s23 =	simm.s32 $0x2600;
	s1 =	sand.u32 $0x1, s1;
	s5 =	smul.u32 $0x5000, s6  }
0xb: {  	s24 =	simm.s32 $0x0;
	s6 =	sshll.u32 s6, $0x1;
	s7 =	smul.u32 $0x50000, s1  }
0xc: {  	[smem:$0x7FF] =	sst s4;
	s6 =	sor.u32 s1, s6;
	s1 =	ssub.s32 $0x2, s1  }
0xd: {  	s6 =	smul.u32 $0x280, s6;
	s8 =	sshrl.u32 s1, $0x1;
	s7 =	sadd.s32 s5, s7  }
0xe: {  	_ =	strace $0x8000004D;
	s1 =	ssub.s32 s1, s8;
	s7 =	sshrl.u32 s7, $0x3  }
0xf: {  	s5 =	sadd.s32 s5, s3;
	s9 =	sadd.s32 s6, s0;
	s0 =	sadd.s32 s7, s0  }
0x10: {  	s6 =	sadd.s32 $0x7600, s9;
	s7 =	sadd.s32 $0x2600, s9;
	s9 =	smax.u32 s1, $0x1  }
0x11: {  	v0 =	vimm.f32 $0.0e+00;
	s1 =	simm.s32 $0x1000;
	s8 =	sadd.s32 $0x33800, s0;
	s0 =	simm.s32 $0x2000  }
.LBB2_1:
0x12: {  	s25 =	simm.s32 $0x80;
	s26 =	simm.s32 $0x0  }
.LBB2_2:
0x13: {  	p0 =	sne.s32 s25, $0x13F80;
	[tilespmem:s26+$0xA800] =	vst v0;
	s28 =	smov.u32 s25;
	s25 =	sadd.s32 $0x80, s25  }
.Ltmp0:
0x14: {  	[tilespmem:s26+$0xA810] =	vst v0;
	(pc) =	sbr.rel @p0 .LBB2_2-.Ltmp0, $2  }
0x15: {  	_ =	sdelay $0x2  }
0x16: {  	s26 =	sshra.s32 s28, $0x2  }
0x17: {  	[tilespmem:s26+$0xA800] =	vst v0  }
0x18: {  	[tilespmem:s26+$0xA810] =	vst v0  }
0x19: {  	[spmem:s5] =	stream.linear.scatter [tilespmem:s10], [sflag:$0x5], $0x5000, $0x38;
	[tilespmem:$0x14800] =	vst v63  }
0x1a: {  	_ =	swait.ge [sflag:s11], $0x5000  }
0x1b: {  	[sflag:s11] =	ssyncset.done $0x0  }
0x1c: {  	[sflag:s11] =	ssyncadd.s32 $0xFFFFB000  }
0x1d: {  	[tilespmem:s4], [sflag:$0x5] =	stream.linear.gather [hbm4b:s6+s4], $0x1400, $0x38;
	[tilespmem:$0x14800] =	vst v63  }
0x1e: {  	_ =	swait.ge [sflag:s11], $0x1400  }
0x1f: {  	[sflag:s11] =	ssyncset.done $0x0  }
0x20: {  	[sflag:s11] =	ssyncadd.s32 $0xFFFFEC00  }
0x21: {  	[tilespmem:s12], [sflag:$0x5] =	stream.linear.gather [hbm4b:s7+s4], $0x1400, $0x38;
	[tilespmem:$0x14800] =	vst v63  }
0x22: {  	_ =	swait.ge [sflag:s11], $0x1400  }
0x23: {  	[sflag:s11] =	ssyncset.done $0x0  }
0x24: {  	[sflag:s11] =	ssyncadd.s32 $0xFFFFEC00  }
0x25: {  	[bflag:$0x0] =	sbarrier.arrive $0xFFFF  }
0x26: {  	[tilespmem:s14], [sflag:$0x1] =	stream.indirect.gather [hbm4b:s2+s13], $0x20, s4, s13, $0xb8;
	[tilespmem:$0x14800] =	vst v63  }
0x27: {  	_ = 	snop  }
0x28: {  	[tilespmem:s15], [sflag:$0x2] =	stream.indirect.gather [hbm4b:s2+s13], $0x20, s13, s13, $0xb8;
	[tilespmem:$0x14800] =	vst v63  }
0x29: {  	_ =	swait.ge [sflag:s16], $0x4000  }
0x2a: {  	[sflag:s16] =	ssyncset.done $0x0  }
0x2b: {  	[sflag:s16] =	ssyncadd.s32 $0xFFFFC000  }
0x2c: {  	[spmem:s3] =	stream.indirect.scatter.add.f32 [tilespmem:s14], [sflag:$0x3], $0x20, s12, s13, $0xb8;
	[tilespmem:$0x14800] =	vst v63  }
0x2d: {  	_ =	swait.ge [sflag:s17], $0x4000  }
0x2e: {  	[sflag:s17] =	ssyncset.done $0x0  }
0x2f: {  	s25 =	simm.s32 $0x400;
	[sflag:s17] =	ssyncadd.s32 $0xFFFFC000  }
0x30: {  	[tilespmem:s14], [sflag:$0x1] =	stream.indirect.gather [hbm4b:s2+s13], $0x20, s25, s13, $0xb8;
	[tilespmem:$0x14800] =	vst v63  }
0x31: {  	_ =	swait.ge [sflag:s19], $0x4000  }
0x32: {  	[sflag:s19] =	ssyncset.done $0x0  }
0x33: {  	s28 =	simm.s32 $0x1600;
	[sflag:s19] =	ssyncadd.s32 $0xFFFFC000  }
0x34: {  	[spmem:s3] =	stream.indirect.scatter.add.f32 [tilespmem:s15], [sflag:$0x4], $0x20, s28, s13, $0xb8;
	[tilespmem:$0x14800] =	vst v63  }
0x35: {  	_ =	swait.ge [sflag:s21], $0x4000  }
0x36: {  	[sflag:s21] =	ssyncset.done $0x0  }
0x37: {  	s26 =	simm.s32 $0x600;
	[sflag:s21] =	ssyncadd.s32 $0xFFFFC000  }
0x38: {  	[tilespmem:s15], [sflag:$0x2] =	stream.indirect.gather [hbm4b:s2+s13], $0x20, s26, s13, $0xb8;
	[tilespmem:$0x14800] =	vst v63  }
0x39: {  	_ =	swait.ge [sflag:s16], $0x4000  }
0x3a: {  	[sflag:s16] =	ssyncset.done $0x0  }
0x3b: {  	s28 =	simm.s32 $0x1800;
	[sflag:s16] =	ssyncadd.s32 $0xFFFFC000  }
0x3c: {  	[spmem:s3] =	stream.indirect.scatter.add.f32 [tilespmem:s14], [sflag:$0x3], $0x20, s28, s13, $0xb8;
	[tilespmem:$0x14800] =	vst v63  }
0x3d: {  	_ =	swait.ge [sflag:s17], $0x4000  }
0x3e: {  	[sflag:s17] =	ssyncset.done $0x0  }
0x3f: {  	s26 =	simm.s32 $0x800;
	[sflag:s17] =	ssyncadd.s32 $0xFFFFC000  }
0x40: {  	[tilespmem:s14], [sflag:$0x1] =	stream.indirect.gather [hbm4b:s2+s13], $0x20, s26, s13, $0xb8;
	[tilespmem:$0x14800] =	vst v63  }
0x41: {  	_ =	swait.ge [sflag:s19], $0x4000  }
0x42: {  	[sflag:s19] =	ssyncset.done $0x0  }
0x43: {  	s28 =	simm.s32 $0x1A00;
	[sflag:s19] =	ssyncadd.s32 $0xFFFFC000  }
0x44: {  	[spmem:s3] =	stream.indirect.scatter.add.f32 [tilespmem:s15], [sflag:$0x4], $0x20, s28, s13, $0xb8;
	[tilespmem:$0x14800] =	vst v63  }
0x45: {  	_ =	swait.ge [sflag:s21], $0x4000  }
0x46: {  	[sflag:s21] =	ssyncset.done $0x0  }
0x47: {  	s26 =	simm.s32 $0xA00;
	[sflag:s21] =	ssyncadd.s32 $0xFFFFC000  }
0x48: {  	[tilespmem:s15], [sflag:$0x2] =	stream.indirect.gather [hbm4b:s2+s13], $0x20, s26, s13, $0xb8;
	[tilespmem:$0x14800] =	vst v63  }
0x49: {  	_ =	swait.ge [sflag:s16], $0x4000  }
0x4a: {  	[sflag:s16] =	ssyncset.done $0x0  }
0x4b: {  	s28 =	simm.s32 $0x1C00;
	[sflag:s16] =	ssyncadd.s32 $0xFFFFC000  }
0x4c: {  	[spmem:s3] =	stream.indirect.scatter.add.f32 [tilespmem:s14], [sflag:$0x3], $0x20, s28, s13, $0xb8;
	[tilespmem:$0x14800] =	vst v63  }
0x4d: {  	_ =	swait.ge [sflag:s17], $0x4000  }
0x4e: {  	[sflag:s17] =	ssyncset.done $0x0  }
0x4f: {  	[sflag:s17] =	ssyncadd.s32 $0xFFFFC000  }
0x50: {  	[tilespmem:s14], [sflag:$0x1] =	stream.indirect.gather [hbm4b:s2+s13], $0x20, s29, s13, $0xb8;
	[tilespmem:$0x14800] =	vst v63  }
0x51: {  	_ =	swait.ge [sflag:s19], $0x4000  }
0x52: {  	[sflag:s19] =	ssyncset.done $0x0  }
0x53: {  	[sflag:s19] =	ssyncadd.s32 $0xFFFFC000  }
0x54: {  	[spmem:s3] =	stream.indirect.scatter.add.f32 [tilespmem:s15], [sflag:$0x4], $0x20, s30, s13, $0xb8;
	[tilespmem:$0x14800] =	vst v63  }
0x55: {  	_ =	swait.ge [sflag:s21], $0x4000  }
0x56: {  	[sflag:s21] =	ssyncset.done $0x0  }
0x57: {  	[sflag:s21] =	ssyncadd.s32 $0xFFFFC000  }
0x58: {  	[tilespmem:s15], [sflag:$0x2] =	stream.indirect.gather [hbm4b:s2+s13], $0x20, s31, s13, $0xb8;
	[tilespmem:$0x14800] =	vst v63  }
0x59: {  	_ =	swait.ge [sflag:s16], $0x4000  }
0x5a: {  	[sflag:s16] =	ssyncset.done $0x0  }
0x5b: {  	[sflag:s16] =	ssyncadd.s32 $0xFFFFC000  }
0x5c: {  	[spmem:s3] =	stream.indirect.scatter.add.f32 [tilespmem:s14], [sflag:$0x3], $0x20, s0, s13, $0xb8;
	[tilespmem:$0x14800] =	vst v63  }
0x5d: {  	_ =	swait.ge [sflag:s17], $0x4000  }
0x5e: {  	[sflag:s17] =	ssyncset.done $0x0  }
0x5f: {  	[sflag:s17] =	ssyncadd.s32 $0xFFFFC000  }
0x60: {  	[tilespmem:s14], [sflag:$0x1] =	stream.indirect.gather [hbm4b:s2+s13], $0x20, s1, s13, $0xb8;
	[tilespmem:$0x14800] =	vst v63  }
0x61: {  	_ =	swait.ge [sflag:s19], $0x4000  }
0x62: {  	[sflag:s19] =	ssyncset.done $0x0  }
0x63: {  	[sflag:s19] =	ssyncadd.s32 $0xFFFFC000  }
0x64: {  	[spmem:s3] =	stream.indirect.scatter.add.f32 [tilespmem:s15], [sflag:$0x4], $0x20, s18, s13, $0xb8;
	[tilespmem:$0x14800] =	vst v63  }
0x65: {  	_ =	swait.ge [sflag:s21], $0x4000  }
0x66: {  	[sflag:s21] =	ssyncset.done $0x0  }
0x67: {  	[sflag:s21] =	ssyncadd.s32 $0xFFFFC000  }
0x68: {  	[tilespmem:s15], [sflag:$0x2] =	stream.indirect.gather [hbm4b:s2+s13], $0x20, s20, s13, $0xb8;
	[tilespmem:$0x14800] =	vst v63  }
0x69: {  	_ =	swait.ge [sflag:s16], $0x4000  }
0x6a: {  	[sflag:s16] =	ssyncset.done $0x0  }
0x6b: {  	[sflag:s16] =	ssyncadd.s32 $0xFFFFC000  }
0x6c: {  	[spmem:s3] =	stream.indirect.scatter.add.f32 [tilespmem:s14], [sflag:$0x3], $0x20, s22, s13, $0xb8;
	[tilespmem:$0x14800] =	vst v63  }
0x6d: {  	_ =	swait.ge [sflag:s19], $0x4000  }
0x6e: {  	[sflag:s19] =	ssyncset.done $0x0  }
0x6f: {  	[sflag:s19] =	ssyncadd.s32 $0xFFFFC000  }
0x70: {  	[spmem:s3] =	stream.indirect.scatter.add.f32 [tilespmem:s15], [sflag:$0x4], $0x20, s23, s13, $0xb8;
	[tilespmem:$0x14800] =	vst v63  }
0x71: {  	_ =	swait.ge [sflag:s17], $0x4000  }
0x72: {  	[sflag:s17] =	ssyncset.done $0x0  }
0x73: {  	[sflag:s17] =	ssyncadd.s32 $0xFFFFC000  }
0x74: {  	_ =	swait.ge [sflag:s21], $0x4000  }
0x75: {  	[sflag:s21] =	ssyncset.done $0x0  }
0x76: {  	[sflag:s21] =	ssyncadd.s32 $0xFFFFC000  }
0x77: {  	[bflag:$0x0] =	sbarrier.arrive $0xFFFF  }
0x78: {  	[tilespmem:s10], [sflag:$0x5] =	stream.linear.gather [spmem:s5], $0x5000, $0x38;
	[tilespmem:$0x14800] =	vst v63  }
0x79: {  	s24 =	sadd.s32 $0x1, s24;
	_ =	swait.ge [sflag:s11], $0x5000  }
0x7a: {  	p0 =	sne.s32 s24, s9;
	[sflag:s11] =	ssyncset.done $0x0  }
.Ltmp1:
0x7b: {  	[sflag:s11] =	ssyncadd.s32 $0xFFFFB000;
	(pc) =	sbr.rel @p0 .LBB2_1-.Ltmp1, $4  }
0x7c: {  	[hbm4b:s8+s4] =	stream.linear.scatter [tilespmem:s10], [sflag:$0x5], $0x5000, $0x38;
	[tilespmem:$0x14800] =	vst v63  }
0x7d: {  	_ =	swait.ge [sflag:s11], $0x5000  }
0x7e: {  	[sflag:s11] =	ssyncset.done $0x0  }
0x7f: {  	[sflag:s11] =	ssyncadd.s32 $0xFFFFB000  }
0x80: {  	_ =	sfence.sel $0x180000  }
0x81: {  	[bflag:$0x0] =	sbarrier.arrive $0xFFFF  }
0x82: {  	_ =	strace $0x9000004D  }
0x83: {  	s0 =	stileid.u32;
	[bflag:$0x2] =	sbarrier.arrive $0xFFFF  }
0x84: {  	p0 =	sne.s32 s0, $0x0;
	s0 =	rddreg [dreg:$0x3]  }
0x85: {  	s0 =	sadd.s32 @!p0 $0x100000, s0  }
0x86: {  	[sflag:s0] =	ssyncadd.tile.s32 @!p0 $0x1;
	_ =	shalt  }
.Lfunc_end2:
_tile_overlayer_lowered:
.L_overlay_start_2:
0x87: {  	(tag) =	ssettag $0x2  }
0x88: {  	s0 =	rddreg [dreg:$0x0];
	s2 =	stileid.u32  }
0x89: {  	s1 =	rddreg [dreg:$0x1];
	p0 =	sne.s32 s2, $0x0  }
0x8a: {  	s3 =	rddreg [dreg:$0x2];
	[bflag:$0x3] =	sbarrier.arrive $0xFFFF;
	s2 =	simm.s32 @!p0 $0x1C05  }
0x8b: {  	[timem:s3], [sflag:s2] =	dma.local @!p0 [hbm:s0], s1  }
0x8c: {  	s0 =	simm.s32 @!p0 $0x5  }
0x8d: {  	_ =	swait.ge @!p0 [sflag:s0], s1  }
0x8e: {  	s1 =	ssub.s32 @!p0 $0x0, s1;
	[sflag:s0] =	ssyncset.done @!p0 $0x0  }
0x8f: {  	[sflag:s0] =	ssyncadd.s32 @!p0 s1  }
0x90: {  	[bflag:$0x3] =	sbarrier.arrive $0xFFFF  }
0x91: {  	_ =	shalt  }

// kernel: kernel.9.cloned.1.call-start
scs
__scs_entry_jumppad:
0x0: {  	(pc) =	sbr.rel $0x88, $3  }
0x1: {  	(tag) =	ssettag $0x0;
	lr =	simm.s32 $0x1  }
0x2: {  	[smem:$0x3F98] =	sst lr;
	_ =	strace $0xD0000000  }
0x3: {  	_ = 	snop  }
0x4: {  	_ = 	snop  }
0x5: {  	_ = 	snop  }
0x6: {  	_ = 	snop  }
0x7: {  	_ = 	snop  }
__scs_overlays_trampoline_lowered:
0x8: {  	[smem:$0x3FA7] =	sst s0  }
0x9: {  	[smem:$0x3FA8] =	sst s1  }
0xa: {  	[smem:$0x3FA9] =	sst s2  }
0xb: {  	[smem:$0x3FAA] =	sst s3  }
0xc: {  	[smem:$0x3FAB] =	sst s4  }
0xd: {  	[smem:$0x3FAC] =	sst s5  }
0xe: {  	[smem:$0x3FAD] =	sst s6  }
0xf: {  	[smem:$0x3FAE] =	sst s7  }
0x10: {  	[smem:$0x3FAF] =	sst s8  }
0x11: {  	[smem:$0x3FB0] =	sst s9;
	s0 =	simm.s32 @!p0 $0x0  }
0x12: {  	s1 =	sld [smem:$0x3F96];
	s0 =	simm.s32 @p0 $0x1  }
0x13: {  	[smem:$0x3FB1] =	sst s0;
	s0 =	simm.s32 @!p1 $0x0  }
0x14: {  	s2 =	sld [smem:$0x3F95];
	s0 =	simm.s32 @p1 $0x1  }
0x15: {  	[smem:$0x3FB2] =	sst s0;
	s0 =	simm.s32 @!p2 $0x0  }
0x16: {  	s3 =	sld [smem:$0x3FDB];
	s0 =	simm.s32 @p2 $0x1  }
0x17: {  	s4 =	simm.s32 $0x1BF5;
	[smem:$0x3FB4] =	sst s0  }
0x18: {  	s0 =	sld [smem:$0x3F97];
	_ =	swait.ge [sflag:s4], $0x0  }
0x19: {  	s7 =	sld [smem:$0x3F98]  }
0x1a: {  	s8 =	sadd.s32 $0xFFFFE003, lr  }
0x1b: {  	s9 =	sadd.s32 $0xFFFFFEF7, lr;
	s5 =	simm.s32 $0xFFFFFFFF;
	p2 =	slt.u32 s8, $0xFFFFF086  }
0x1c: {  	p1 =	slt.u32 s9, $0xF7A;
	s5 =	simm.s32 @!p2 $0x0  }
0x1d: {  	s5 =	simm.s32 @p1 $0x1;
	p0 =	seq.s32 s7, s2  }
0x1e: {  	s7 =	smul.u32 @!p0 $0xF7A, s2;
	p2 =	seq.s32 @!p0 s5, $0x0  }
0x1f: {  	s9 =	smul.u32 $0xF7A, s1;
	s8 =	simm.s32 @!p0 $0x1BF5;
	p2 =	por !p2, p0  }
0x20: {  	[sflag:s8] =	ssyncset.s32 @!p0 $0xFFFFF086;
	s6 =	sadd.s32 @!p0 s3, s7;
	s7 =	simm.s32 @!p0 $0x108  }
0x21: {  	s3 =	sadd.s32 s3, s9;
	s6 =	sadd.s32 @!p0 $0x88, s6;
	s7 =	simm.s32 @p2 $0x1082  }
0x22: {  	[simem:s7], [sflag:s8] =	dma.local @!p0 [hbm:s6], $0xF7A  }
0x23: {  	s9 =	sor.u32 $0xD0000000, s2;
	s6 =	simm.s32 $0x108;
	_ =	swait.ge @!p0 [sflag:s8], $0x0  }
0x24: {  	s3 =	sadd.s32 $0x88, s3;
	s6 =	simm.s32 @!p1 $0x1082;
	[sflag:s4] =	ssyncset.s32 $0xFFFFF086  }
0x25: {  	[simem:s6], [sflag:s4] =	dma.local [hbm:s3], $0xF7A  }
0x26: {  	[smem:$0x3F98] =	sst s1;
	(tag) =	ssettag s2;
	_ =	strace s9  }
0x27: {  	s1 =	sld [smem:$0x3FA8]  }
0x28: {  	s2 =	sld [smem:$0x3FA9]  }
0x29: {  	s4 =	sld [smem:$0x3FAB]  }
0x2a: {  	p0 =	seq.s32 s5, $0x0;
	s5 =	sld [smem:$0x3FAC]  }
0x2b: {  	s6 =	sld [smem:$0x3FAD]  }
0x2c: {  	s7 =	sld [smem:$0x3FAE]  }
0x2d: {  	s3 =	simm.s32 $0x108;
	s8 =	sld [smem:$0x3FAF]  }
0x2e: {  	s3 =	simm.s32 @!p0 $0x1082;
	s9 =	sld [smem:$0x3FB0]  }
0x2f: {  	lr =	sadd.s32 s0, s3;
	s0 =	sld [smem:$0x3FA7]  }
0x30: {  	s3 =	sld [smem:$0x3FAA]  }
0x31: {  	[smem:$0x3FB3] =	sst s10  }
0x32: {  	s10 =	sld [smem:$0x3FB1];
	_ =	sdelay $0x3  }
0x33: {  	p0 =	seq.s32 s10, $0x1;
	s10 =	sld [smem:$0x3FB3];
	_ =	sdelay $0x3  }
0x34: {  	[smem:$0x3FB3] =	sst s10  }
0x35: {  	s10 =	sld [smem:$0x3FB2];
	_ =	sdelay $0x3  }
0x36: {  	p1 =	seq.s32 s10, $0x1;
	s10 =	sld [smem:$0x3FB3];
	_ =	sdelay $0x3  }
0x37: {  	[smem:$0x3FB3] =	sst s10  }
0x38: {  	s10 =	sld [smem:$0x3FB4]  }
0x39: {  	_ = 	snop;
	(pc) =	sbr.ind lr, $3  }
0x3a: {  	_ = 	snop  }
0x3b: {  	_ = 	snop  }
0x3c: {  	p2 =	seq.s32 s10, $0x1;
	s10 =	sld [smem:$0x3FB3]  }
0x3d: {  	_ =	shalt  }
0x3e: {  	_ =	shalt  }
0x3f: {  	_ =	shalt  }
0x40: {  	_ =	shalt  }
0x41: {  	_ =	shalt  }
0x42: {  	_ =	shalt  }
0x43: {  	_ =	shalt  }
0x44: {  	_ =	shalt  }
0x45: {  	_ =	shalt  }
0x46: {  	_ =	shalt  }
0x47: {  	_ =	shalt  }
0x48: {  	_ =	shalt  }
0x49: {  	_ =	shalt  }
0x4a: {  	_ =	shalt  }
0x4b: {  	_ =	shalt  }
0x4c: {  	_ =	shalt  }
0x4d: {  	_ =	shalt  }
0x4e: {  	_ =	shalt  }
0x4f: {  	_ =	shalt  }
0x50: {  	_ =	shalt  }
0x51: {  	_ =	shalt  }
0x52: {  	_ =	shalt  }
0x53: {  	_ =	shalt  }
0x54: {  	_ =	shalt  }
0x55: {  	_ =	shalt  }
0x56: {  	_ =	shalt  }
0x57: {  	_ =	shalt  }
0x58: {  	_ =	shalt  }
0x59: {  	_ =	shalt  }
0x5a: {  	_ =	shalt  }
0x5b: {  	_ =	shalt  }
0x5c: {  	_ =	shalt  }
0x5d: {  	_ =	shalt  }
0x5e: {  	_ =	shalt  }
0x5f: {  	_ =	shalt  }
0x60: {  	_ =	shalt  }
0x61: {  	_ =	shalt  }
0x62: {  	_ =	shalt  }
0x63: {  	_ =	shalt  }
0x64: {  	_ =	shalt  }
0x65: {  	_ =	shalt  }
0x66: {  	_ =	shalt  }
0x67: {  	_ =	shalt  }
0x68: {  	_ =	shalt  }
0x69: {  	_ =	shalt  }
0x6a: {  	_ =	shalt  }
0x6b: {  	_ =	shalt  }
0x6c: {  	_ =	shalt  }
0x6d: {  	_ =	shalt  }
0x6e: {  	_ =	shalt  }
0x6f: {  	_ =	shalt  }
0x70: {  	_ =	shalt  }
0x71: {  	_ =	shalt  }
0x72: {  	_ =	shalt  }
0x73: {  	_ =	shalt  }
0x74: {  	_ =	shalt  }
0x75: {  	_ =	shalt  }
0x76: {  	_ =	shalt  }
0x77: {  	_ =	shalt  }
0x78: {  	_ =	shalt  }
0x79: {  	_ =	shalt  }
0x7a: {  	_ =	shalt  }
0x7b: {  	_ =	shalt  }
0x7c: {  	_ =	shalt  }
0x7d: {  	_ =	shalt  }
0x7e: {  	_ =	shalt  }
0x7f: {  	_ =	shalt  }
0x80: {  	_ =	shalt  }
0x81: {  	_ =	shalt  }
0x82: {  	_ =	shalt  }
0x83: {  	_ =	shalt  }
0x84: {  	_ =	shalt  }
0x85: {  	_ =	shalt  }
0x86: {  	_ =	shalt  }
0x87: {  	_ =	shalt  }
.Lfunc_end0:
.L_simem_size_0:
called_computation_lowered:
.L_overlay_start_0:
0x88: {  	s2 =	sld [smem:$0x3FD9]  }
0x89: {  	s3 =	sld [smem:$0x3FFE];
	_ =	sdelay $0x1  }
0x8a: {  	s1 =	srdreg.scid  }
0x8b: {  	s0 =	sand.u32 $0x1, s1  }
0x8c: {  	s16 =	sshll.u32 s0, $0xA;
	s2 =	sadd.s32 s3, s2  }
0x8d: {  	s2 =	sadd.s32 s2, s16  }
0x8e: {  	[smem:$0x3FBF] =	sst s2  }
0x8f: {  	_ = 	snop  }
0x90: {  	(tm) =	ssettm $0x1  }
0x91: {  	s17 =	sld [smem:$0x3FFB];
	_ =	sdelay $0x3  }
0x92: {  	_ =	strace s17  }
0x93: {  	s2 =	sld [smem:$0x3FFC];
	_ =	sdelay $0x3  }
0x94: {  	_ =	strace s2  }
0x95: {  	s2 =	sld [smem:$0x3FFD];
	_ =	sdelay $0x3  }
0x96: {  	_ =	strace s2  }
0x97: {  	_ =	strace $0x8FFFFFFF  }
0x98: {  	s18 =	sld [smem:$0x3FDB];
	_ =	sdelay $0x1  }
0x99: {  	s19 =	simm.s32 $_scs_section_size  }
0x9a: {  	s4 =	simm.s32 $_size__tile_overlayer_lowered;
	s5 =	simm.s32 $_tile_overlayer_lowered  }
0x9b: {  	s22 =	simm.s32 $0x1BFF;
	s21 =	sshll.u32 s5, $0x1;
	s2 =	sadd.s32 s19, s18  }
0x9c: {  	s6 =	simm.s32 $0x0;
	s20 =	sshll.u32 s4, $0x1;
	s4 =	sadd.s32 s21, s2  }
0x9d: {  	[timem:s6], [sflag:s22] =	dma.local [hbm:s4], s20  }
0x9e: {  	_ =	swait.ge [sflag:s22], s20  }
0x9f: {  	s3 =	ssub.s32 $0x0, s20;
	[sflag:s22] =	ssyncset.done $0x0  }
0xa0: {  	[sflag:s22] =	ssyncadd.s32 s3;
	_ =	sdelay $0x1  }
0xa1: {  	s23 =	simm.s32 $0x1B8B  }
0xa2: {  	_ =	swait.ge [sflag:s23], $0x1  }
0xa3: {  	[sflag:s23] =	ssyncset.done $0x0  }
0xa4: {  	s25 =	simm.s32 $0x1B8E;
	s24 =	sld [smem:$0x3FFE];
	[sflag:s23] =	ssyncadd.s32 $0xFFFFFFFF  }
0xa5: {  	s26 =	simm.s32 $execute0_lowered;
	[smem:$0x3FD2] =	sst s25  }
0xa6: {  	s4 =	sshll.u32 s26, $0x1;
	_ =	strace $0x80000046;
	[dreg:$0x1] =	wrdreg $0xFFFFFFFF  }
0xa7: {  	s28 =	simm.s32 $_size_execute0_lowered;
	s2 =	sadd.s32 s2, s4;
	[dreg:$0x0] =	wrdreg $0x0  }
0xa8: {  	s4 =	sshll.u32 s28, $0x1;
	[dreg:$0x2] =	wrdreg s2  }
0xa9: {  	[dreg:$0x3] =	wrdreg s4  }
0xaa: {  	[dreg:$0x4] =	wrdreg $0xC0  }
0xab: {  	_ =	task [dreg:s6], $0x5FFFF  }
0xac: {  	[dreg:$0x1] =	wrdreg $0xFFFFFFFF  }
0xad: {  	[dreg:$0x0] =	wrdreg $0x60  }
0xae: {  	[dreg:$0x2] =	wrdreg s24  }
0xaf: {  	[dreg:$0x3] =	wrdreg $0x5C000  }
0xb0: {  	[dreg:$0x4] =	wrdreg $0x9  }
0xb1: {  	_ =	task.clear_ibuf [dreg:s6], $0x5FFFF;
	_ =	strace $0x90000046  }
0xb2: {  	s29 =	simm.s32 $0x9;
	_ =	strace $0x80000048  }
0xb3: {  	_ =	swait.ge [sflag:s29], $0x1  }
0xb4: {  	[sflag:s29] =	ssyncadd.s32 $0xFFFFFFFF  }
0xb5: {  	_ =	strace $0x90000048  }
0xb6: {  	_ =	sfence  }
0xb7: {  	s30 =	sld [smem:$0x0];
	_ =	sdelay $0x2  }
0xb8: {  	s31 =	sshll.u32 s1, $0xD;
	s1 =	sshrl.u32 s1, $0x2  }
0xb9: {  	s3 =	sand.u32 $0x4000, s31;
	s1 =	sadd.s32 s1, s30  }
0xba: {  	s0 =	sor.u32 s3, s0;
	s1 =	sshll.u32 s1, $0x11  }
0xbb: {  	s0 =	sor.u32 s1, s0  }
0xbc: {  	s0 =	sadd.s32 $0x8F2B, s0  }
0xbd: {  	[sflag:s0] =	ssyncadd.remote.s32 $0x1  }
0xbe: {  	_ =	sfence.sel $0xFFFF  }
0xbf: {  	[dreg:$0x0] =	wrdreg $0xFFFFFFFF;
	(pc) =	sbr.abs _section_cstart, $3  }
0xc0: {  	[dreg:$0x1] =	wrdreg $0xFFFFFFFF  }
0xc1: {  	_ =	task.clear_ibuf [dreg:s6], $0x2FFFF;
	_ =	strace $0x9FFFFFFF  }
0xc2: {  	(tm) =	ssettm $0x7FFFFFFF  }
0xc3: {  	_ =	shalt  }
tec
execute0_lowered:
.L_overlay_start_1:
0x0: {  	(tag) =	ssettag $0x1  }
0x1: {  	s4 =	rddreg [dreg:$0x0]  }
0x2: {  	s2 =	rddreg [dreg:$0x1];
	s3 =	srdreg.scid  }
0x3: {  	s1 =	stileid.u32;
	s0 =	rddreg [dreg:$0x2];
	s10 =	simm.s32 $0x200  }
0x4: {  	s11 =	simm.s32 $0x1400;
	s12 =	simm.s32 $0x400;
	s13 =	simm.s32 $0x600  }
0x5: {  	s14 =	simm.s32 $0x800;
	s15 =	simm.s32 $0xA00;
	s16 =	simm.s32 $0xC00  }
0x6: {  	s17 =	simm.s32 $0xE00;
	s18 =	simm.s32 $0x1000;
	s19 =	simm.s32 $0x1200  }
0x7: {  	s20 =	simm.s32 $0x1;
	s5 =	sand.u32 $0x1, s3;
	s6 =	smul.u32 $0x2800, s1  }
0x8: {  	s3 =	simm.s32 $0x0;
	s7 =	sshll.u32 s1, $0x1;
	s8 =	smul.u32 $0x28000, s5  }
0x9: {  	s21 =	simm.s32 $0x0;
	[smem:$0x7FF] =	sst s3;
	s7 =	sor.u32 s5, s7  }
0xa: {  	s5 =	ssub.s32 $0x2, s5;
	s7 =	smul.u32 $0x280, s7;
	s8 =	sadd.s32 s6, s8  }
0xb: {  	_ =	strace $0x80000047;
	s9 =	sshrl.u32 s5, $0x1;
	s8 =	sshrl.u32 s8, $0x3  }
0xc: {  	s9 =	ssub.s32 s5, s9;
	s7 =	sadd.s32 s7, s4;
	s8 =	sadd.s32 s8, s4  }
0xd: {  	s4 =	sadd.s32 s6, s2;
	s5 =	sadd.s32 $0x2600, s7;
	s7 =	smax.u32 s9, $0x1  }
0xe: {  	v0 =	vimm.f32 $1.000000000e+00;
	v1 =	vimm.f32 $0.0e+00;
	s9 =	simm.s32 $0x2;
	s6 =	sadd.s32 $0xC600, s8;
	s8 =	simm.s32 $0x3400  }
.LBB2_1:
0xf: {  	s22 =	simm.s32 $0x0  }
.LBB2_2:
0x10: {  	p0 =	sne.s32 s22, $0x7FC0  }
.Ltmp0:
0x11: {  	_ = 	snop;
	(pc) =	sbr.rel @p0 .LBB2_2-.Ltmp0, $3  }
0x12: {  	_ =	sdelay $0x1  }
0x13: {  	s23 =	sshra.s32 s22, $0x2  }
0x14: {  	s22 =	sadd.s32 $0x40, s22;
	[tilespmem:s23+$0x1400] =	vst v0  }
0x15: {  	s22 =	simm.s32 $0x40;
	s23 =	simm.s32 $0x0  }
.LBB2_4:
0x16: {  	p0 =	sne.s32 s22, $0x9FC0;
	[tilespmem:s23+$0x3400] =	vst v1;
	s23 =	smov.u32 s22;
	s22 =	sadd.s32 $0x40, s22  }
.Ltmp1:
0x17: {  	(pc) =	sbr.rel @p0 .LBB2_4-.Ltmp1, $2  }
0x18: {  	_ =	sdelay $0x2  }
0x19: {  	s23 =	sshra.s32 s23, $0x2  }
0x1a: {  	[tilespmem:s23+$0x3400] =	vst v1  }
0x1b: {  	[spmem:s4] =	stream.linear.scatter [tilespmem:s8], [sflag:$0x2], $0x2800, $0x38;
	[tilespmem:$0x8400] =	vst v63  }
0x1c: {  	_ =	swait.ge [sflag:s9], $0x2800  }
0x1d: {  	[sflag:s9] =	ssyncset.done $0x0  }
0x1e: {  	[sflag:s9] =	ssyncadd.s32 $0xFFFFD800  }
0x1f: {  	[tilespmem:s3], [sflag:$0x2] =	stream.linear.gather [hbm4b:s5+s3], $0x1400, $0x38;
	[tilespmem:$0x8400] =	vst v63  }
0x20: {  	_ =	swait.ge [sflag:s9], $0x1400  }
0x21: {  	[sflag:s9] =	ssyncset.done $0x0  }
0x22: {  	[sflag:s9] =	ssyncadd.s32 $0xFFFFEC00  }
0x23: {  	[bflag:$0x0] =	sbarrier.arrive $0xFFFF  }
0x24: {  	[spmem:s2] =	stream.indirect.scatter.add.f32 [tilespmem:s11], [sflag:$0x1], $0x10, s3, s10, $0xb8;
	[tilespmem:$0x8400] =	vst v63  }
0x25: {  	_ = 	snop  }
0x26: {  	[spmem:s2] =	stream.indirect.scatter.add.f32 [tilespmem:s11], [sflag:$0x1], $0x10, s10, s10, $0xb8;
	[tilespmem:$0x8400] =	vst v63  }
0x27: {  	_ = 	snop  }
0x28: {  	[spmem:s2] =	stream.indirect.scatter.add.f32 [tilespmem:s11], [sflag:$0x1], $0x10, s12, s10, $0xb8;
	[tilespmem:$0x8400] =	vst v63  }
0x29: {  	_ = 	snop  }
0x2a: {  	[spmem:s2] =	stream.indirect.scatter.add.f32 [tilespmem:s11], [sflag:$0x1], $0x10, s13, s10, $0xb8;
	[tilespmem:$0x8400] =	vst v63  }
0x2b: {  	_ = 	snop  }
0x2c: {  	[spmem:s2] =	stream.indirect.scatter.add.f32 [tilespmem:s11], [sflag:$0x1], $0x10, s14, s10, $0xb8;
	[tilespmem:$0x8400] =	vst v63  }
0x2d: {  	_ = 	snop  }
0x2e: {  	[spmem:s2] =	stream.indirect.scatter.add.f32 [tilespmem:s11], [sflag:$0x1], $0x10, s15, s10, $0xb8;
	[tilespmem:$0x8400] =	vst v63  }
0x2f: {  	_ = 	snop  }
0x30: {  	[spmem:s2] =	stream.indirect.scatter.add.f32 [tilespmem:s11], [sflag:$0x1], $0x10, s16, s10, $0xb8;
	[tilespmem:$0x8400] =	vst v63  }
0x31: {  	_ = 	snop  }
0x32: {  	[spmem:s2] =	stream.indirect.scatter.add.f32 [tilespmem:s11], [sflag:$0x1], $0x10, s17, s10, $0xb8;
	[tilespmem:$0x8400] =	vst v63  }
0x33: {  	_ = 	snop  }
0x34: {  	[spmem:s2] =	stream.indirect.scatter.add.f32 [tilespmem:s11], [sflag:$0x1], $0x10, s18, s10, $0xb8;
	[tilespmem:$0x8400] =	vst v63  }
0x35: {  	_ = 	snop  }
0x36: {  	[spmem:s2] =	stream.indirect.scatter.add.f32 [tilespmem:s11], [sflag:$0x1], $0x10, s19, s10, $0xb8;
	[tilespmem:$0x8400] =	vst v63  }
0x37: {  	_ =	swait.ge [sflag:s20], $0x2000  }
0x38: {  	[sflag:s20] =	ssyncset.done $0x0  }
0x39: {  	[sflag:s20] =	ssyncadd.s32 $0xFFFFE000  }
0x3a: {  	_ =	swait.ge [sflag:s20], $0x2000  }
0x3b: {  	[sflag:s20] =	ssyncset.done $0x0  }
0x3c: {  	[sflag:s20] =	ssyncadd.s32 $0xFFFFE000  }
0x3d: {  	_ =	swait.ge [sflag:s20], $0x2000  }
0x3e: {  	[sflag:s20] =	ssyncset.done $0x0  }
0x3f: {  	[sflag:s20] =	ssyncadd.s32 $0xFFFFE000  }
0x40: {  	_ =	swait.ge [sflag:s20], $0x2000  }
0x41: {  	[sflag:s20] =	ssyncset.done $0x0  }
0x42: {  	[sflag:s20] =	ssyncadd.s32 $0xFFFFE000  }
0x43: {  	_ =	swait.ge [sflag:s20], $0x2000  }
0x44: {  	[sflag:s20] =	ssyncset.done $0x0  }
0x45: {  	[sflag:s20] =	ssyncadd.s32 $0xFFFFE000  }
0x46: {  	_ =	swait.ge [sflag:s20], $0x2000  }
0x47: {  	[sflag:s20] =	ssyncset.done $0x0  }
0x48: {  	[sflag:s20] =	ssyncadd.s32 $0xFFFFE000  }
0x49: {  	_ =	swait.ge [sflag:s20], $0x2000  }
0x4a: {  	[sflag:s20] =	ssyncset.done $0x0  }
0x4b: {  	[sflag:s20] =	ssyncadd.s32 $0xFFFFE000  }
0x4c: {  	_ =	swait.ge [sflag:s20], $0x2000  }
0x4d: {  	[sflag:s20] =	ssyncset.done $0x0  }
0x4e: {  	[sflag:s20] =	ssyncadd.s32 $0xFFFFE000  }
0x4f: {  	_ =	swait.ge [sflag:s20], $0x2000  }
0x50: {  	[sflag:s20] =	ssyncset.done $0x0  }
0x51: {  	[sflag:s20] =	ssyncadd.s32 $0xFFFFE000  }
0x52: {  	_ =	swait.ge [sflag:s20], $0x2000  }
0x53: {  	[sflag:s20] =	ssyncset.done $0x0  }
0x54: {  	[sflag:s20] =	ssyncadd.s32 $0xFFFFE000  }
0x55: {  	[bflag:$0x0] =	sbarrier.arrive $0xFFFF  }
0x56: {  	[tilespmem:s8], [sflag:$0x2] =	stream.linear.gather [spmem:s4], $0x2800, $0x38;
	[tilespmem:$0x8400] =	vst v63  }
0x57: {  	s21 =	sadd.s32 $0x1, s21;
	_ =	swait.ge [sflag:s9], $0x2800  }
0x58: {  	p0 =	sne.s32 s21, s7;
	[sflag:s9] =	ssyncset.done $0x0  }
.Ltmp2:
0x59: {  	[sflag:s9] =	ssyncadd.s32 $0xFFFFD800;
	(pc) =	sbr.rel @p0 .LBB2_1-.Ltmp2, $4  }
0x5a: {  	[hbm4b:s6+s3] =	stream.linear.scatter [tilespmem:s8], [sflag:$0x2], $0x2800, $0x38;
	[tilespmem:$0x8400] =	vst v63  }
0x5b: {  	_ =	swait.ge [sflag:s9], $0x2800  }
0x5c: {  	[sflag:s9] =	ssyncset.done $0x0  }
0x5d: {  	[sflag:s9] =	ssyncadd.s32 $0xFFFFD800  }
0x5e: {  	_ =	sfence.sel $0x180000  }
0x5f: {  	[bflag:$0x0] =	sbarrier.arrive $0xFFFF  }
0x60: {  	p0 =	sne.s32 s1, $0x0;
	_ =	strace $0x90000047  }
0x61: {  	s0 =	sadd.s32 @!p0 $0x100000, s0;
	[bflag:$0x2] =	sbarrier.arrive $0xFFFF  }
0x62: {  	[sflag:s0] =	ssyncadd.tile.s32 @!p0 $0x1;
	_ =	shalt  }
.Lfunc_end2:
_tile_overlayer_lowered:
.L_overlay_start_2:
0x63: {  	(tag) =	ssettag $0x2  }
0x64: {  	s0 =	rddreg [dreg:$0x0];
	s2 =	stileid.u32  }
0x65: {  	s1 =	rddreg [dreg:$0x1];
	p0 =	sne.s32 s2, $0x0  }
0x66: {  	s3 =	rddreg [dreg:$0x2];
	[bflag:$0x3] =	sbarrier.arrive $0xFFFF;
	s2 =	simm.s32 @!p0 $0x1C02  }
0x67: {  	[timem:s3], [sflag:s2] =	dma.local @!p0 [hbm:s0], s1  }
0x68: {  	s0 =	simm.s32 @!p0 $0x2  }
0x69: {  	_ =	swait.ge @!p0 [sflag:s0], s1  }
0x6a: {  	s1 =	ssub.s32 @!p0 $0x0, s1;
	[sflag:s0] =	ssyncset.done @!p0 $0x0  }
0x6b: {  	[sflag:s0] =	ssyncadd.s32 @!p0 s1  }
0x6c: {  	[bflag:$0x3] =	sbarrier.arrive $0xFFFF  }
0x6d: {  	_ =	shalt  }

</sc_bundles>
